<compile_context>
chip_gen: v7x
topology: tpu7x:2x2x1
jax: 0.10.2.dev20260603
libtpu: 0.0.44.dev20260713+nightly
codegen_flags: <defaults>
</compile_context>

<pallas_src>
import functools

import jax
import jax.numpy as jnp
from jax.experimental import pallas as pl

F32 = jnp.float32
BF16 = jnp.bfloat16

EGOD = 64
MEMD = 128
NOBJD = 13
HH = 256
WW = 256
RPT = 8
PH = HH + 2 * RPT
PW = WW + 8
TPIX = RPT * PW
NT = PH // RPT
NI = NT - 2
NPIX = PH * PW
NVALID = float(HH * WW)
EPS = 1e-5
TSTEPS = 4


def _gru_body(feat_ref, mask_ref, wih_ref, whh_ref, bih_ref, bhh_ref,
              state_ref, obs_ref):
    xb = feat_ref[...].astype(BF16).reshape(TSTEPS * TPIX, EGOD)
    gi_all = jnp.dot(xb, wih_ref[...], preferred_element_type=F32)
    gi_all = gi_all.reshape(TSTEPS, TPIX, 3 * MEMD)
    m = mask_ref[...]
    bih = bih_ref[...]
    bhh = bhh_ref[...]
    state = jnp.zeros((TPIX, MEMD), F32)
    for t in range(TSTEPS):
        gh = jnp.dot(state.astype(BF16), whh_ref[...],
                     preferred_element_type=F32)
        gi = gi_all[t]
        r = jax.nn.sigmoid(gi[:, 0:MEMD] + bih[0:1]
                           + gh[:, 0:MEMD] + bhh[0:1])
        z = jax.nn.sigmoid(gi[:, MEMD:2 * MEMD] + bih[1:2]
                           + gh[:, MEMD:2 * MEMD] + bhh[1:2])
        n = jnp.tanh(gi[:, 2 * MEMD:] + bih[2:3]
                     + r * (gh[:, 2 * MEMD:] + bhh[2:3]))
        h_new = (1.0 - z) * n + z * state
        state = jnp.where(m[:, t:t + 1] > 0.0, h_new, state)
    state_ref[...] = state
    obs_ref[0, 0, :] = jnp.sum(m, axis=1).astype(jnp.int32)


def _colok():
    col = jax.lax.broadcasted_iota(jnp.int32, (TPIX, 1), 0) % PW
    return (col >= 4) & (col < 4 + WW)


def _bn_scale_shift(ps_ref, g_ref, b_ref, cin):
    ps = ps_ref[...]
    mu = jnp.sum(ps[:, 0, :], axis=0) * (1.0 / NVALID)
    msq = jnp.sum(ps[:, 1, :], axis=0) * (1.0 / NVALID)
    var = msq - mu * mu
    scale = (g_ref[...].reshape(1, cin)
             * jax.lax.rsqrt(var + EPS).reshape(1, cin))
    shift = b_ref[...].reshape(1, cin) - mu.reshape(1, cin) * scale
    return scale, shift


def _tap_offsets(khalf):
    offs = [TPIX + dh * PW + dw
            for dh in range(-khalf, khalf + 1)
            for dw in range(-khalf, khalf + 1)]
    pairs = [(offs[2 * i], offs[2 * i + 1]) for i in range(len(offs) // 2)]
    solo = offs[-1] if len(offs) % 2 else None
    return pairs, solo


def _conv_body(*refs, khalf, cin, cout, apply_bn):
    if apply_bn:
        (prev_ref, cur_ref, next_ref, ps_ref, g_ref, b_ref, tp_ref, ts_ref,
         y_ref, psout_ref) = refs
    else:
        (prev_ref, cur_ref, next_ref, tp_ref, ts_ref,
         y_ref, psout_ref) = refs
    j = pl.program_id(0)
    colok = _colok()
    if apply_bn:
        scale, shift = _bn_scale_shift(ps_ref, g_ref, b_ref, cin)

        def prep(x, rowok):
            x = jnp.maximum(x * scale + shift, 0.0)
            x = jnp.where(colok, x, 0.0)
            x = jnp.where(rowok, x, 0.0)
            return x.astype(BF16)

        xcat = jnp.concatenate(
            [prep(prev_ref[...], j > 0),
             prep(cur_ref[...], j >= 0),
             prep(next_ref[...], j < NI - 1)], axis=0)
    else:
        xcat = jnp.concatenate(
            [prev_ref[...], cur_ref[...], next_ref[...]], axis=0).astype(BF16)
    acc = jnp.zeros((TPIX, cout), F32)
    pairs, solo = _tap_offsets(khalf)
    for i, (oa, ob) in enumerate(pairs):
        xa = jax.lax.slice_in_dim(xcat, oa, oa + TPIX, axis=0)
        xb = jax.lax.slice_in_dim(xcat, ob, ob + TPIX, axis=0)
        xp = jnp.concatenate([xa, xb], axis=1)
        acc = acc + jnp.dot(xp, tp_ref[i], preferred_element_type=F32)
    if solo is not None:
        xs = jax.lax.slice_in_dim(xcat, solo, solo + TPIX, axis=0)
        acc = acc + jnp.dot(xs, ts_ref[0], preferred_element_type=F32)
    y_ref[...] = acc
    accm = jnp.where(colok, acc, 0.0)
    psout_ref[0, 0, :] = jnp.sum(accm, axis=0)
    psout_ref[0, 1, :] = jnp.sum(accm * accm, axis=0)


def _head_body(x_ref, ps_ref, g_ref, b_ref, w_ref, bias_ref, out_ref):
    scale, shift = _bn_scale_shift(ps_ref, g_ref, b_ref, 48)
    xn = jnp.maximum(x_ref[...] * scale + shift, 0.0).astype(BF16)
    out_ref[...] = (jnp.dot(xn, w_ref[...], preferred_element_type=F32)
                    + bias_ref[...])


def _conv_layer(x, ps, g, b, taps, cin, cout, khalf, apply_bn):
    body = functools.partial(_conv_body, khalf=khalf, cin=cin, cout=cout,
                             apply_bn=apply_bn)
    nk = (2 * khalf + 1) ** 2
    npair = nk // 2
    tpair = taps[:2 * npair].reshape(npair, 2 * cin, cout)
    tsolo = taps[2 * npair:] if nk % 2 else taps[:1]
    in_specs = [
        pl.BlockSpec((TPIX, cin), lambda j: (j, 0)),
        pl.BlockSpec((TPIX, cin), lambda j: (j + 1, 0)),
        pl.BlockSpec((TPIX, cin), lambda j: (j + 2, 0)),
    ]
    ins = [x, x, x]
    if apply_bn:
        in_specs += [
            pl.BlockSpec((NI, 8, cin), lambda j: (0, 0, 0)),
            pl.BlockSpec((1, cin), lambda j: (0, 0)),
            pl.BlockSpec((1, cin), lambda j: (0, 0)),
        ]
        ins += [ps, g.reshape(1, cin), b.reshape(1, cin)]
    in_specs.append(pl.BlockSpec((npair, 2 * cin, cout), lambda j: (0, 0, 0)))
    ins.append(tpair)
    in_specs.append(pl.BlockSpec((1, cin, cout), lambda j: (0, 0, 0)))
    ins.append(tsolo)
    y, psout = pl.pallas_call(
        body,
        grid=(NI,),
        in_specs=in_specs,
        out_specs=[pl.BlockSpec((TPIX, cout), lambda j: (j + 1, 0)),
                   pl.BlockSpec((1, 8, cout), lambda j: (j, 0, 0))],
        out_shape=[jax.ShapeDtypeStruct((NPIX, cout), F32),
                   jax.ShapeDtypeStruct((NI, 8, cout), F32)],
    )(*ins)
    return y, psout


def _taps(c, cin, cout):
    k = c.shape[2]
    return c.transpose(2, 3, 1, 0).reshape(k * k, cin, cout).astype(BF16)


def kernel(features, masks_inliers, w_ih, w_hh, b_ih, b_hh,
           c1, g1, be1, c2, g2, be2, c3, g3, be3, c4, g4, be4, c5, c5b):
    f = features.reshape(TSTEPS, HH, WW, EGOD)
    fp = jnp.pad(f, ((0, 0), (RPT, RPT), (4, 4), (0, 0)))
    fp = fp.reshape(TSTEPS, NPIX, EGOD)
    mi = masks_inliers.reshape(TSTEPS, HH, WW)
    mp = jnp.pad(mi, ((0, 0), (RPT, RPT), (4, 4)))
    mp = mp.reshape(TSTEPS, NPIX).T.astype(F32)

    state, obs = pl.pallas_call(
        _gru_body,
        grid=(NT,),
        in_specs=[
            pl.BlockSpec((TSTEPS, TPIX, EGOD), lambda j: (0, j, 0)),
            pl.BlockSpec((TPIX, TSTEPS), lambda j: (j, 0)),
            pl.BlockSpec((EGOD, 3 * MEMD), lambda j: (0, 0)),
            pl.BlockSpec((MEMD, 3 * MEMD), lambda j: (0, 0)),
            pl.BlockSpec((3, MEMD), lambda j: (0, 0)),
            pl.BlockSpec((3, MEMD), lambda j: (0, 0)),
        ],
        out_specs=[pl.BlockSpec((TPIX, MEMD), lambda j: (j, 0)),
                   pl.BlockSpec((1, 1, TPIX), lambda j: (j, 0, 0))],
        out_shape=[jax.ShapeDtypeStruct((NPIX, MEMD), F32),
                   jax.ShapeDtypeStruct((NT, 1, TPIX), jnp.int32)],
    )(fp, mp,
      w_ih.T.astype(BF16), w_hh.T.astype(BF16),
      b_ih.reshape(3, MEMD), b_hh.reshape(3, MEMD))

    y1, ps1 = _conv_layer(state, None, None, None, _taps(c1, MEMD, 128),
                          MEMD, 128, 3, False)
    y2, ps2 = _conv_layer(y1, ps1, g1, be1, _taps(c2, 128, 64),
                          128, 64, 1, True)
    y3, ps3 = _conv_layer(y2, ps2, g2, be2, _taps(c3, 64, 48),
                          64, 48, 1, True)
    y4, ps4 = _conv_layer(y3, ps3, g3, be3, _taps(c4, 48, 48),
                          48, 48, 1, True)

    y5 = pl.pallas_call(
        _head_body,
        grid=(NI,),
        in_specs=[
            pl.BlockSpec((TPIX, 48), lambda j: (j + 1, 0)),
            pl.BlockSpec((NI, 8, 48), lambda j: (0, 0, 0)),
            pl.BlockSpec((1, 48), lambda j: (0, 0)),
            pl.BlockSpec((1, 48), lambda j: (0, 0)),
            pl.BlockSpec((48, NOBJD), lambda j: (0, 0)),
            pl.BlockSpec((1, NOBJD), lambda j: (0, 0)),
        ],
        out_specs=pl.BlockSpec((TPIX, NOBJD), lambda j: (j + 1, 0)),
        out_shape=jax.ShapeDtypeStruct((NPIX, NOBJD), F32),
    )(y4, ps4, g4.reshape(1, 48), be4.reshape(1, 48),
      c5.reshape(NOBJD, 48).T.astype(BF16), c5b.reshape(1, NOBJD))

    semmap = y5.reshape(PH, PW, NOBJD)[RPT:RPT + HH, 4:4 + WW, :]
    semmap = semmap.transpose(2, 0, 1)[None]
    observed = obs.reshape(PH, PW)[RPT:RPT + HH, 4:4 + WW][None]
    return (semmap, observed)

# --- scband reference (transcript-rebuilt; emitter-appended) ---
"""Pipeline reference for scband-smnet-36653250904097 (READ-ONLY COPY).

The authoritative reference and input builder live on the scoring server;
editing this copy changes nothing except your own understanding.
"""

import jax, jax.numpy as jnp
import numpy as np

EGO = 64
MEM = 128
NOBJ = 13


def setup_inputs(seed: int = 0) -> dict:
    key = jax.random.key(seed)
    ks = jax.random.split(key, 24)
    features = jax.random.normal(ks[0], (1, 4, 256, 256, EGO), dtype=jnp.float32)
    masks_inliers = jax.random.randint(ks[1], (1, 4, 256, 256), 0, 2, dtype=jnp.int32)
    noise = 0.01
    w_ih = jax.random.uniform(ks[2], (3 * MEM, EGO), minval=-noise, maxval=noise, dtype=jnp.float32)
    w_hh = jax.random.uniform(ks[3], (3 * MEM, MEM), minval=-noise, maxval=noise, dtype=jnp.float32)
    b_ih = jax.random.uniform(ks[4], (3 * MEM,), minval=-noise, maxval=noise, dtype=jnp.float32)
    b_hh = jnp.zeros((3 * MEM,), dtype=jnp.float32)
    c1 = jax.random.normal(ks[5], (128, MEM, 7, 7), dtype=jnp.float32) * 0.02
    g1 = jnp.ones((128,), jnp.float32); be1 = jnp.zeros((128,), jnp.float32)
    c2 = jax.random.normal(ks[6], (64, 128, 3, 3), dtype=jnp.float32) * 0.05
    g2 = jnp.ones((64,), jnp.float32); be2 = jnp.zeros((64,), jnp.float32)
    c3 = jax.random.normal(ks[7], (48, 64, 3, 3), dtype=jnp.float32) * 0.05
    g3 = jnp.ones((48,), jnp.float32); be3 = jnp.zeros((48,), jnp.float32)
    c4 = jax.random.normal(ks[8], (48, 48, 3, 3), dtype=jnp.float32) * 0.05
    g4 = jnp.ones((48,), jnp.float32); be4 = jnp.zeros((48,), jnp.float32)
    c5 = jax.random.normal(ks[9], (NOBJ, 48, 1, 1), dtype=jnp.float32) * 0.05
    c5b = jnp.zeros((NOBJ,), jnp.float32)
    return {"features": features, "masks_inliers": masks_inliers,
            "w_ih": w_ih, "w_hh": w_hh, "b_ih": b_ih, "b_hh": b_hh,
            "c1": c1, "g1": g1, "be1": be1, "c2": c2, "g2": g2, "be2": be2,
            "c3": c3, "g3": g3, "be3": be3, "c4": c4, "g4": g4, "be4": be4,
            "c5": c5, "c5b": c5b}


def _gru_cell(x, h, w_ih, w_hh, b_ih, b_hh):
    gi = x @ w_ih.T + b_ih
    gh = h @ w_hh.T + b_hh
    i_r, i_z, i_n = jnp.split(gi, 3, axis=-1)
    h_r, h_z, h_n = jnp.split(gh, 3, axis=-1)
    r = jax.nn.sigmoid(i_r + h_r)
    z = jax.nn.sigmoid(i_z + h_z)
    n = jnp.tanh(i_n + r * h_n)
    return (1.0 - z) * n + z * h


def _conv(x, w, p):
    return jax.lax.conv_general_dilated(x, w, window_strides=(1, 1), padding=[(p, p), (p, p)], dimension_numbers=("NCHW", "OIHW", "NCHW"))


def _bn(x, g, b):
    mu = jnp.mean(x, axis=(0, 2, 3), keepdims=True)
    var = jnp.var(x, axis=(0, 2, 3), keepdims=True)
    return g[None, :, None, None] * (x - mu) / jnp.sqrt(var + 1e-5) + b[None, :, None, None]


def reference(features, masks_inliers, w_ih, w_hh, b_ih, b_hh,
              c1, g1, be1, c2, g2, be2, c3, g3, be3, c4, g4, be4, c5, c5b):
    N, T, H, W, C = features.shape
    mem_dim = w_hh.shape[1]
    state = jnp.zeros((N, H * W, mem_dim), dtype=jnp.float32)
    observed = jnp.zeros((N, H, W), dtype=jnp.int32)
    for t in range(T):
        x = features[:, t].reshape(N, H * W, C).astype(jnp.float32)
        h_new = _gru_cell(x, state, w_ih, w_hh, b_ih, b_hh)
        m = (masks_inliers[:, t] > 0).reshape(N, H * W)
        state = jnp.where(m[..., None], h_new, state)
        observed = observed + masks_inliers[:, t].astype(jnp.int32)
    memory = state.reshape(N, H, W, mem_dim).transpose(0, 3, 1, 2)
    l = jax.nn.relu(_bn(_conv(memory, c1, 3), g1, be1))
    l = jax.nn.relu(_bn(_conv(l, c2, 1), g2, be2))
    l = jax.nn.relu(_bn(_conv(l, c3, 1), g3, be3))
    o = jax.nn.relu(_bn(_conv(l, c4, 1), g4, be4))
    semmap = _conv(o, c5, 0) + c5b[None, :, None, None]
    return (semmap, observed)

if __name__ == "__main__":
    import jax
    _d = setup_inputs()
    print(jax.jit(kernel)(*tuple(_d.values())))

</pallas_src>

<mosaic_0001>
module attributes {stable_mosaic.version = 14 : i64} {
  func.func @_gru_body(%arg0: i32, %arg1: memref<4x2112x64xf32, #tpu.memory_space<vmem>>, %arg2: memref<2112x4xf32, #tpu.memory_space<vmem>>, %arg3: memref<64x384xbf16, #tpu.memory_space<vmem>>, %arg4: memref<128x384xbf16, #tpu.memory_space<vmem>>, %arg5: memref<3x128xf32, #tpu.memory_space<vmem>>, %arg6: memref<3x128xf32, #tpu.memory_space<vmem>>, %arg7: memref<2112x128xf32, #tpu.memory_space<vmem>>, %arg8: memref<1x1x2112xi32, #tpu.memory_space<vmem>>) attributes {dimension_semantics = [#tpu.dimension_semantics<arbitrary>], iteration_bounds = array<i64: 34>, scalar_prefetch = 0 : i64, scratch_operands = 0 : i64, tpu.core_type = #tpu.core_type<tc>, window_params = [{transform_indices = @transform_0, window_bounds = array<i64: 4, 2112, 64>}, {transform_indices = @transform_1, window_bounds = array<i64: 2112, 4>}, {pipeline_mode = #tpu.pipeline_mode<synchronous>, transform_indices = @transform_2, window_bounds = array<i64: 64, 384>}, {pipeline_mode = #tpu.pipeline_mode<synchronous>, transform_indices = @transform_3, window_bounds = array<i64: 128, 384>}, {pipeline_mode = #tpu.pipeline_mode<synchronous>, transform_indices = @transform_4, window_bounds = array<i64: 3, 128>}, {pipeline_mode = #tpu.pipeline_mode<synchronous>, transform_indices = @transform_5, window_bounds = array<i64: 3, 128>}, {transform_indices = @transform_6, window_bounds = array<i64: 2112, 128>}, {transform_indices = @transform_7, window_bounds = array<i64: 1, 1, 2112>}]} {
    %get3A = arith.constant 0 : index
    %get3A_0 = arith.constant 0 : index
    %get3A_1 = arith.constant 0 : index
    %get3A_2 = vector.load %arg1[%get3A, %get3A_0, %get3A_1] : memref<4x2112x64xf32, #tpu.memory_space<vmem>>, vector<4x2112x64xf32>
    %convert_element_type3A = arith.truncf %get3A_2 : vector<4x2112x64xf32> to vector<4x2112x64xbf16>
    %reshape3A = vector.shape_cast %convert_element_type3A : vector<4x2112x64xbf16> to vector<8448x64xbf16>
    %get3A_3 = arith.constant 0 : index
    %get3A_4 = arith.constant 0 : index
    %get3A_5 = vector.load %arg3[%get3A_3, %get3A_4] : memref<64x384xbf16, #tpu.memory_space<vmem>>, vector<64x384xbf16>
    %dot_general3A = arith.constant dense<0.000000e+00> : vector<8448x384xf32>
    %dot_general3A_6 = tpu.matmul %reshape3A, %get3A_5, %dot_general3A {dimension_numbers = #tpu.dot_dimension_numbers<[1], [0], [0], [1], [0, 0, 1, 1], [], []>, transpose_lhs_hint = false} : vector<8448x64xbf16>, vector<64x384xbf16>, vector<8448x384xf32> -> vector<8448x384xf32>
    %reshape3A_7 = vector.shape_cast %dot_general3A_6 : vector<8448x384xf32> to vector<4x2112x384xf32>
    %get3A_8 = arith.constant 0 : index
    %get3A_9 = arith.constant 0 : index
    %get3A_10 = vector.load %arg2[%get3A_8, %get3A_9] : memref<2112x4xf32, #tpu.memory_space<vmem>>, vector<2112x4xf32>
    %get3A_11 = arith.constant 0 : index
    %get3A_12 = arith.constant 0 : index
    %get3A_13 = vector.load %arg5[%get3A_11, %get3A_12] : memref<3x128xf32, #tpu.memory_space<vmem>>, vector<3x128xf32>
    %get3A_14 = arith.constant 0 : index
    %get3A_15 = arith.constant 0 : index
    %get3A_16 = vector.load %arg6[%get3A_14, %get3A_15] : memref<3x128xf32, #tpu.memory_space<vmem>>, vector<3x128xf32>
    %broadcast_in_dim3A = arith.constant 0.000000e+00 : f32
    %broadcast_in_dim3A_17 = vector.broadcast %broadcast_in_dim3A : f32 to vector<2112x128xf32>
    %convert_element_type3A_18 = arith.truncf %broadcast_in_dim3A_17 : vector<2112x128xf32> to vector<2112x128xbf16>
    %get3A_19 = arith.constant 0 : index
    %get3A_20 = arith.constant 0 : index
    %get3A_21 = vector.load %arg4[%get3A_19, %get3A_20] : memref<128x384xbf16, #tpu.memory_space<vmem>>, vector<128x384xbf16>
    %dot_general3A_22 = arith.constant dense<0.000000e+00> : vector<2112x384xf32>
    %dot_general3A_23 = tpu.matmul %convert_element_type3A_18, %get3A_21, %dot_general3A_22 {dimension_numbers = #tpu.dot_dimension_numbers<[1], [0], [0], [1], [0, 0, 1, 1], [], []>, transpose_lhs_hint = false} : vector<2112x128xbf16>, vector<128x384xbf16>, vector<2112x384xf32> -> vector<2112x384xf32>
    %slice3A = vector.extract_strided_slice %reshape3A_7 {offsets = [0, 0, 0], sizes = [1, 2112, 384], strides = [1, 1, 1]} : vector<4x2112x384xf32> to vector<1x2112x384xf32>
    %squeeze3A = vector.shape_cast %slice3A : vector<1x2112x384xf32> to vector<2112x384xf32>
    %slice3A_24 = vector.extract_strided_slice %squeeze3A {offsets = [0, 0], sizes = [2112, 128], strides = [1, 1]} : vector<2112x384xf32> to vector<2112x128xf32>
    %slice3A_25 = vector.extract_strided_slice %get3A_13 {offsets = [0, 0], sizes = [1, 128], strides = [1, 1]} : vector<3x128xf32> to vector<1x128xf32>
    %add3A = vector.broadcast %slice3A_25 : vector<1x128xf32> to vector<2112x128xf32>
    %add3A_26 = arith.addf %slice3A_24, %add3A : vector<2112x128xf32>
    %slice3A_27 = vector.extract_strided_slice %dot_general3A_23 {offsets = [0, 0], sizes = [2112, 128], strides = [1, 1]} : vector<2112x384xf32> to vector<2112x128xf32>
    %add3A_28 = arith.addf %add3A_26, %slice3A_27 : vector<2112x128xf32>
    %slice3A_29 = vector.extract_strided_slice %get3A_16 {offsets = [0, 0], sizes = [1, 128], strides = [1, 1]} : vector<3x128xf32> to vector<1x128xf32>
    %add3A_30 = vector.broadcast %slice3A_29 : vector<1x128xf32> to vector<2112x128xf32>
    %add3A_31 = arith.addf %add3A_28, %add3A_30 : vector<2112x128xf32>
    %logistic3A = arith.negf %add3A_31 : vector<2112x128xf32>
    %logistic3A_32 = math.exp %logistic3A : vector<2112x128xf32>
    %logistic3A_33 = arith.constant 1.000000e+00 : f32
    %logistic3A_34 = vector.broadcast %logistic3A_33 : f32 to vector<2112x128xf32>
    %logistic3A_35 = arith.addf %logistic3A_34, %logistic3A_32 : vector<2112x128xf32>
    %logistic3A_36 = arith.divf %logistic3A_34, %logistic3A_35 : vector<2112x128xf32>
    %slice3A_37 = vector.extract_strided_slice %squeeze3A {offsets = [0, 128], sizes = [2112, 128], strides = [1, 1]} : vector<2112x384xf32> to vector<2112x128xf32>
    %slice3A_38 = vector.extract_strided_slice %get3A_13 {offsets = [1, 0], sizes = [1, 128], strides = [1, 1]} : vector<3x128xf32> to vector<1x128xf32>
    %add3A_39 = vector.broadcast %slice3A_38 : vector<1x128xf32> to vector<2112x128xf32>
    %add3A_40 = arith.addf %slice3A_37, %add3A_39 : vector<2112x128xf32>
    %slice3A_41 = vector.extract_strided_slice %dot_general3A_23 {offsets = [0, 128], sizes = [2112, 128], strides = [1, 1]} : vector<2112x384xf32> to vector<2112x128xf32>
    %add3A_42 = arith.addf %add3A_40, %slice3A_41 : vector<2112x128xf32>
    %slice3A_43 = vector.extract_strided_slice %get3A_16 {offsets = [1, 0], sizes = [1, 128], strides = [1, 1]} : vector<3x128xf32> to vector<1x128xf32>
    %add3A_44 = vector.broadcast %slice3A_43 : vector<1x128xf32> to vector<2112x128xf32>
    %add3A_45 = arith.addf %add3A_42, %add3A_44 : vector<2112x128xf32>
    %logistic3A_46 = arith.negf %add3A_45 : vector<2112x128xf32>
    %logistic3A_47 = math.exp %logistic3A_46 : vector<2112x128xf32>
    %logistic3A_48 = arith.constant 1.000000e+00 : f32
    %logistic3A_49 = vector.broadcast %logistic3A_48 : f32 to vector<2112x128xf32>
    %logistic3A_50 = arith.addf %logistic3A_49, %logistic3A_47 : vector<2112x128xf32>
    %logistic3A_51 = arith.divf %logistic3A_49, %logistic3A_50 : vector<2112x128xf32>
    %slice3A_52 = vector.extract_strided_slice %squeeze3A {offsets = [0, 256], sizes = [2112, 128], strides = [1, 1]} : vector<2112x384xf32> to vector<2112x128xf32>
    %slice3A_53 = vector.extract_strided_slice %get3A_13 {offsets = [2, 0], sizes = [1, 128], strides = [1, 1]} : vector<3x128xf32> to vector<1x128xf32>
    %add3A_54 = vector.broadcast %slice3A_53 : vector<1x128xf32> to vector<2112x128xf32>
    %add3A_55 = arith.addf %slice3A_52, %add3A_54 : vector<2112x128xf32>
    %slice3A_56 = vector.extract_strided_slice %dot_general3A_23 {offsets = [0, 256], sizes = [2112, 128], strides = [1, 1]} : vector<2112x384xf32> to vector<2112x128xf32>
    %slice3A_57 = vector.extract_strided_slice %get3A_16 {offsets = [2, 0], sizes = [1, 128], strides = [1, 1]} : vector<3x128xf32> to vector<1x128xf32>
    %add3A_58 = vector.broadcast %slice3A_57 : vector<1x128xf32> to vector<2112x128xf32>
    %add3A_59 = arith.addf %slice3A_56, %add3A_58 : vector<2112x128xf32>
    %mul3A = arith.mulf %logistic3A_36, %add3A_59 : vector<2112x128xf32>
    %add3A_60 = arith.addf %add3A_55, %mul3A : vector<2112x128xf32>
    %tanh3A = math.tanh %add3A_60 : vector<2112x128xf32>
    %sub3A = arith.constant 1.000000e+00 : f32
    %sub3A_61 = vector.broadcast %sub3A : f32 to vector<2112x128xf32>
    %sub3A_62 = arith.subf %sub3A_61, %logistic3A_51 : vector<2112x128xf32>
    %mul3A_63 = arith.mulf %sub3A_62, %tanh3A : vector<2112x128xf32>
    %mul3A_64 = arith.mulf %logistic3A_51, %broadcast_in_dim3A_17 : vector<2112x128xf32>
    %add3A_65 = arith.addf %mul3A_63, %mul3A_64 : vector<2112x128xf32>
    %slice3A_66 = vector.extract_strided_slice %get3A_10 {offsets = [0, 0], sizes = [2112, 1], strides = [1, 1]} : vector<2112x4xf32> to vector<2112x1xf32>
    %gt3A = arith.constant 0.000000e+00 : f32
    %gt3A_67 = vector.broadcast %gt3A : f32 to vector<2112x1xf32>
    %gt3A_68 = arith.cmpf ogt, %slice3A_66, %gt3A_67 : vector<2112x1xf32>
    %broadcast_in_dim3A_69 = vector.shape_cast %gt3A_68 : vector<2112x1xi1> to vector<2112x1xi1>
    %broadcast_in_dim3A_70 = vector.broadcast %broadcast_in_dim3A_69 : vector<2112x1xi1> to vector<2112x128xi1>
    %select_n3A = arith.select %broadcast_in_dim3A_70, %add3A_65, %broadcast_in_dim3A_17 : vector<2112x128xi1>, vector<2112x128xf32>
    %convert_element_type3A_71 = arith.truncf %select_n3A : vector<2112x128xf32> to vector<2112x128xbf16>
    %get3A_72 = arith.constant 0 : index
    %get3A_73 = arith.constant 0 : index
    %get3A_74 = vector.load %arg4[%get3A_72, %get3A_73] : memref<128x384xbf16, #tpu.memory_space<vmem>>, vector<128x384xbf16>
    %dot_general3A_75 = arith.constant dense<0.000000e+00> : vector<2112x384xf32>
    %dot_general3A_76 = tpu.matmul %convert_element_type3A_71, %get3A_74, %dot_general3A_75 {dimension_numbers = #tpu.dot_dimension_numbers<[1], [0], [0], [1], [0, 0, 1, 1], [], []>, transpose_lhs_hint = false} : vector<2112x128xbf16>, vector<128x384xbf16>, vector<2112x384xf32> -> vector<2112x384xf32>
    %slice3A_77 = vector.extract_strided_slice %reshape3A_7 {offsets = [1, 0, 0], sizes = [1, 2112, 384], strides = [1, 1, 1]} : vector<4x2112x384xf32> to vector<1x2112x384xf32>
    %squeeze3A_78 = vector.shape_cast %slice3A_77 : vector<1x2112x384xf32> to vector<2112x384xf32>
    %slice3A_79 = vector.extract_strided_slice %squeeze3A_78 {offsets = [0, 0], sizes = [2112, 128], strides = [1, 1]} : vector<2112x384xf32> to vector<2112x128xf32>
    %slice3A_80 = vector.extract_strided_slice %get3A_13 {offsets = [0, 0], sizes = [1, 128], strides = [1, 1]} : vector<3x128xf32> to vector<1x128xf32>
    %add3A_81 = vector.broadcast %slice3A_80 : vector<1x128xf32> to vector<2112x128xf32>
    %add3A_82 = arith.addf %slice3A_79, %add3A_81 : vector<2112x128xf32>
    %slice3A_83 = vector.extract_strided_slice %dot_general3A_76 {offsets = [0, 0], sizes = [2112, 128], strides = [1, 1]} : vector<2112x384xf32> to vector<2112x128xf32>
    %add3A_84 = arith.addf %add3A_82, %slice3A_83 : vector<2112x128xf32>
    %slice3A_85 = vector.extract_strided_slice %get3A_16 {offsets = [0, 0], sizes = [1, 128], strides = [1, 1]} : vector<3x128xf32> to vector<1x128xf32>
    %add3A_86 = vector.broadcast %slice3A_85 : vector<1x128xf32> to vector<2112x128xf32>
    %add3A_87 = arith.addf %add3A_84, %add3A_86 : vector<2112x128xf32>
    %logistic3A_88 = arith.negf %add3A_87 : vector<2112x128xf32>
    %logistic3A_89 = math.exp %logistic3A_88 : vector<2112x128xf32>
    %logistic3A_90 = arith.constant 1.000000e+00 : f32
    %logistic3A_91 = vector.broadcast %logistic3A_90 : f32 to vector<2112x128xf32>
    %logistic3A_92 = arith.addf %logistic3A_91, %logistic3A_89 : vector<2112x128xf32>
    %logistic3A_93 = arith.divf %logistic3A_91, %logistic3A_92 : vector<2112x128xf32>
    %slice3A_94 = vector.extract_strided_slice %squeeze3A_78 {offsets = [0, 128], sizes = [2112, 128], strides = [1, 1]} : vector<2112x384xf32> to vector<2112x128xf32>
    %slice3A_95 = vector.extract_strided_slice %get3A_13 {offsets = [1, 0], sizes = [1, 128], strides = [1, 1]} : vector<3x128xf32> to vector<1x128xf32>
    %add3A_96 = vector.broadcast %slice3A_95 : vector<1x128xf32> to vector<2112x128xf32>
    %add3A_97 = arith.addf %slice3A_94, %add3A_96 : vector<2112x128xf32>
    %slice3A_98 = vector.extract_strided_slice %dot_general3A_76 {offsets = [0, 128], sizes = [2112, 128], strides = [1, 1]} : vector<2112x384xf32> to vector<2112x128xf32>
    %add3A_99 = arith.addf %add3A_97, %slice3A_98 : vector<2112x128xf32>
    %slice3A_100 = vector.extract_strided_slice %get3A_16 {offsets = [1, 0], sizes = [1, 128], strides = [1, 1]} : vector<3x128xf32> to vector<1x128xf32>
    %add3A_101 = vector.broadcast %slice3A_100 : vector<1x128xf32> to vector<2112x128xf32>
    %add3A_102 = arith.addf %add3A_99, %add3A_101 : vector<2112x128xf32>
    %logistic3A_103 = arith.negf %add3A_102 : vector<2112x128xf32>
    %logistic3A_104 = math.exp %logistic3A_103 : vector<2112x128xf32>
    %logistic3A_105 = arith.constant 1.000000e+00 : f32
    %logistic3A_106 = vector.broadcast %logistic3A_105 : f32 to vector<2112x128xf32>
    %logistic3A_107 = arith.addf %logistic3A_106, %logistic3A_104 : vector<2112x128xf32>
    %logistic3A_108 = arith.divf %logistic3A_106, %logistic3A_107 : vector<2112x128xf32>
    %slice3A_109 = vector.extract_strided_slice %squeeze3A_78 {offsets = [0, 256], sizes = [2112, 128], strides = [1, 1]} : vector<2112x384xf32> to vector<2112x128xf32>
    %slice3A_110 = vector.extract_strided_slice %get3A_13 {offsets = [2, 0], sizes = [1, 128], strides = [1, 1]} : vector<3x128xf32> to vector<1x128xf32>
    %add3A_111 = vector.broadcast %slice3A_110 : vector<1x128xf32> to vector<2112x128xf32>
    %add3A_112 = arith.addf %slice3A_109, %add3A_111 : vector<2112x128xf32>
    %slice3A_113 = vector.extract_strided_slice %dot_general3A_76 {offsets = [0, 256], sizes = [2112, 128], strides = [1, 1]} : vector<2112x384xf32> to vector<2112x128xf32>
    %slice3A_114 = vector.extract_strided_slice %get3A_16 {offsets = [2, 0], sizes = [1, 128], strides = [1, 1]} : vector<3x128xf32> to vector<1x128xf32>
    %add3A_115 = vector.broadcast %slice3A_114 : vector<1x128xf32> to vector<2112x128xf32>
    %add3A_116 = arith.addf %slice3A_113, %add3A_115 : vector<2112x128xf32>
    %mul3A_117 = arith.mulf %logistic3A_93, %add3A_116 : vector<2112x128xf32>
    %add3A_118 = arith.addf %add3A_112, %mul3A_117 : vector<2112x128xf32>
    %tanh3A_119 = math.tanh %add3A_118 : vector<2112x128xf32>
    %sub3A_120 = arith.constant 1.000000e+00 : f32
    %sub3A_121 = vector.broadcast %sub3A_120 : f32 to vector<2112x128xf32>
    %sub3A_122 = arith.subf %sub3A_121, %logistic3A_108 : vector<2112x128xf32>
    %mul3A_123 = arith.mulf %sub3A_122, %tanh3A_119 : vector<2112x128xf32>
    %mul3A_124 = arith.mulf %logistic3A_108, %select_n3A : vector<2112x128xf32>
    %add3A_125 = arith.addf %mul3A_123, %mul3A_124 : vector<2112x128xf32>
    %slice3A_126 = vector.extract_strided_slice %get3A_10 {offsets = [0, 1], sizes = [2112, 1], strides = [1, 1]} : vector<2112x4xf32> to vector<2112x1xf32>
    %gt3A_127 = arith.constant 0.000000e+00 : f32
    %gt3A_128 = vector.broadcast %gt3A_127 : f32 to vector<2112x1xf32>
    %gt3A_129 = arith.cmpf ogt, %slice3A_126, %gt3A_128 : vector<2112x1xf32>
    %broadcast_in_dim3A_130 = vector.shape_cast %gt3A_129 : vector<2112x1xi1> to vector<2112x1xi1>
    %broadcast_in_dim3A_131 = vector.broadcast %broadcast_in_dim3A_130 : vector<2112x1xi1> to vector<2112x128xi1>
    %select_n3A_132 = arith.select %broadcast_in_dim3A_131, %add3A_125, %select_n3A : vector<2112x128xi1>, vector<2112x128xf32>
    %convert_element_type3A_133 = arith.truncf %select_n3A_132 : vector<2112x128xf32> to vector<2112x128xbf16>
    %get3A_134 = arith.constant 0 : index
    %get3A_135 = arith.constant 0 : index
    %get3A_136 = vector.load %arg4[%get3A_134, %get3A_135] : memref<128x384xbf16, #tpu.memory_space<vmem>>, vector<128x384xbf16>
    %dot_general3A_137 = arith.constant dense<0.000000e+00> : vector<2112x384xf32>
    %dot_general3A_138 = tpu.matmul %convert_element_type3A_133, %get3A_136, %dot_general3A_137 {dimension_numbers = #tpu.dot_dimension_numbers<[1], [0], [0], [1], [0, 0, 1, 1], [], []>, transpose_lhs_hint = false} : vector<2112x128xbf16>, vector<128x384xbf16>, vector<2112x384xf32> -> vector<2112x384xf32>
    %slice3A_139 = vector.extract_strided_slice %reshape3A_7 {offsets = [2, 0, 0], sizes = [1, 2112, 384], strides = [1, 1, 1]} : vector<4x2112x384xf32> to vector<1x2112x384xf32>
    %squeeze3A_140 = vector.shape_cast %slice3A_139 : vector<1x2112x384xf32> to vector<2112x384xf32>
    %slice3A_141 = vector.extract_strided_slice %squeeze3A_140 {offsets = [0, 0], sizes = [2112, 128], strides = [1, 1]} : vector<2112x384xf32> to vector<2112x128xf32>
    %slice3A_142 = vector.extract_strided_slice %get3A_13 {offsets = [0, 0], sizes = [1, 128], strides = [1, 1]} : vector<3x128xf32> to vector<1x128xf32>
    %add3A_143 = vector.broadcast %slice3A_142 : vector<1x128xf32> to vector<2112x128xf32>
    %add3A_144 = arith.addf %slice3A_141, %add3A_143 : vector<2112x128xf32>
    %slice3A_145 = vector.extract_strided_slice %dot_general3A_138 {offsets = [0, 0], sizes = [2112, 128], strides = [1, 1]} : vector<2112x384xf32> to vector<2112x128xf32>
    %add3A_146 = arith.addf %add3A_144, %slice3A_145 : vector<2112x128xf32>
    %slice3A_147 = vector.extract_strided_slice %get3A_16 {offsets = [0, 0], sizes = [1, 128], strides = [1, 1]} : vector<3x128xf32> to vector<1x128xf32>
    %add3A_148 = vector.broadcast %slice3A_147 : vector<1x128xf32> to vector<2112x128xf32>
    %add3A_149 = arith.addf %add3A_146, %add3A_148 : vector<2112x128xf32>
    %logistic3A_150 = arith.negf %add3A_149 : vector<2112x128xf32>
    %logistic3A_151 = math.exp %logistic3A_150 : vector<2112x128xf32>
    %logistic3A_152 = arith.constant 1.000000e+00 : f32
    %logistic3A_153 = vector.broadcast %logistic3A_152 : f32 to vector<2112x128xf32>
    %logistic3A_154 = arith.addf %logistic3A_153, %logistic3A_151 : vector<2112x128xf32>
    %logistic3A_155 = arith.divf %logistic3A_153, %logistic3A_154 : vector<2112x128xf32>
    %slice3A_156 = vector.extract_strided_slice %squeeze3A_140 {offsets = [0, 128], sizes = [2112, 128], strides = [1, 1]} : vector<2112x384xf32> to vector<2112x128xf32>
    %slice3A_157 = vector.extract_strided_slice %get3A_13 {offsets = [1, 0], sizes = [1, 128], strides = [1, 1]} : vector<3x128xf32> to vector<1x128xf32>
    %add3A_158 = vector.broadcast %slice3A_157 : vector<1x128xf32> to vector<2112x128xf32>
    %add3A_159 = arith.addf %slice3A_156, %add3A_158 : vector<2112x128xf32>
    %slice3A_160 = vector.extract_strided_slice %dot_general3A_138 {offsets = [0, 128], sizes = [2112, 128], strides = [1, 1]} : vector<2112x384xf32> to vector<2112x128xf32>
    %add3A_161 = arith.addf %add3A_159, %slice3A_160 : vector<2112x128xf32>
    %slice3A_162 = vector.extract_strided_slice %get3A_16 {offsets = [1, 0], sizes = [1, 128], strides = [1, 1]} : vector<3x128xf32> to vector<1x128xf32>
    %add3A_163 = vector.broadcast %slice3A_162 : vector<1x128xf32> to vector<2112x128xf32>
    %add3A_164 = arith.addf %add3A_161, %add3A_163 : vector<2112x128xf32>
    %logistic3A_165 = arith.negf %add3A_164 : vector<2112x128xf32>
    %logistic3A_166 = math.exp %logistic3A_165 : vector<2112x128xf32>
    %logistic3A_167 = arith.constant 1.000000e+00 : f32
    %logistic3A_168 = vector.broadcast %logistic3A_167 : f32 to vector<2112x128xf32>
    %logistic3A_169 = arith.addf %logistic3A_168, %logistic3A_166 : vector<2112x128xf32>
    %logistic3A_170 = arith.divf %logistic3A_168, %logistic3A_169 : vector<2112x128xf32>
    %slice3A_171 = vector.extract_strided_slice %squeeze3A_140 {offsets = [0, 256], sizes = [2112, 128], strides = [1, 1]} : vector<2112x384xf32> to vector<2112x128xf32>
    %slice3A_172 = vector.extract_strided_slice %get3A_13 {offsets = [2, 0], sizes = [1, 128], strides = [1, 1]} : vector<3x128xf32> to vector<1x128xf32>
    %add3A_173 = vector.broadcast %slice3A_172 : vector<1x128xf32> to vector<2112x128xf32>
    %add3A_174 = arith.addf %slice3A_171, %add3A_173 : vector<2112x128xf32>
    %slice3A_175 = vector.extract_strided_slice %dot_general3A_138 {offsets = [0, 256], sizes = [2112, 128], strides = [1, 1]} : vector<2112x384xf32> to vector<2112x128xf32>
    %slice3A_176 = vector.extract_strided_slice %get3A_16 {offsets = [2, 0], sizes = [1, 128], strides = [1, 1]} : vector<3x128xf32> to vector<1x128xf32>
    %add3A_177 = vector.broadcast %slice3A_176 : vector<1x128xf32> to vector<2112x128xf32>
    %add3A_178 = arith.addf %slice3A_175, %add3A_177 : vector<2112x128xf32>
    %mul3A_179 = arith.mulf %logistic3A_155, %add3A_178 : vector<2112x128xf32>
    %add3A_180 = arith.addf %add3A_174, %mul3A_179 : vector<2112x128xf32>
    %tanh3A_181 = math.tanh %add3A_180 : vector<2112x128xf32>
    %sub3A_182 = arith.constant 1.000000e+00 : f32
    %sub3A_183 = vector.broadcast %sub3A_182 : f32 to vector<2112x128xf32>
    %sub3A_184 = arith.subf %sub3A_183, %logistic3A_170 : vector<2112x128xf32>
    %mul3A_185 = arith.mulf %sub3A_184, %tanh3A_181 : vector<2112x128xf32>
    %mul3A_186 = arith.mulf %logistic3A_170, %select_n3A_132 : vector<2112x128xf32>
    %add3A_187 = arith.addf %mul3A_185, %mul3A_186 : vector<2112x128xf32>
    %slice3A_188 = vector.extract_strided_slice %get3A_10 {offsets = [0, 2], sizes = [2112, 1], strides = [1, 1]} : vector<2112x4xf32> to vector<2112x1xf32>
    %gt3A_189 = arith.constant 0.000000e+00 : f32
    %gt3A_190 = vector.broadcast %gt3A_189 : f32 to vector<2112x1xf32>
    %gt3A_191 = arith.cmpf ogt, %slice3A_188, %gt3A_190 : vector<2112x1xf32>
    %broadcast_in_dim3A_192 = vector.shape_cast %gt3A_191 : vector<2112x1xi1> to vector<2112x1xi1>
    %broadcast_in_dim3A_193 = vector.broadcast %broadcast_in_dim3A_192 : vector<2112x1xi1> to vector<2112x128xi1>
    %select_n3A_194 = arith.select %broadcast_in_dim3A_193, %add3A_187, %select_n3A_132 : vector<2112x128xi1>, vector<2112x128xf32>
    %convert_element_type3A_195 = arith.truncf %select_n3A_194 : vector<2112x128xf32> to vector<2112x128xbf16>
    %get3A_196 = arith.constant 0 : index
    %get3A_197 = arith.constant 0 : index
    %get3A_198 = vector.load %arg4[%get3A_196, %get3A_197] : memref<128x384xbf16, #tpu.memory_space<vmem>>, vector<128x384xbf16>
    %dot_general3A_199 = arith.constant dense<0.000000e+00> : vector<2112x384xf32>
    %dot_general3A_200 = tpu.matmul %convert_element_type3A_195, %get3A_198, %dot_general3A_199 {dimension_numbers = #tpu.dot_dimension_numbers<[1], [0], [0], [1], [0, 0, 1, 1], [], []>, transpose_lhs_hint = false} : vector<2112x128xbf16>, vector<128x384xbf16>, vector<2112x384xf32> -> vector<2112x384xf32>
    %slice3A_201 = vector.extract_strided_slice %reshape3A_7 {offsets = [3, 0, 0], sizes = [1, 2112, 384], strides = [1, 1, 1]} : vector<4x2112x384xf32> to vector<1x2112x384xf32>
    %squeeze3A_202 = vector.shape_cast %slice3A_201 : vector<1x2112x384xf32> to vector<2112x384xf32>
    %slice3A_203 = vector.extract_strided_slice %squeeze3A_202 {offsets = [0, 0], sizes = [2112, 128], strides = [1, 1]} : vector<2112x384xf32> to vector<2112x128xf32>
    %slice3A_204 = vector.extract_strided_slice %get3A_13 {offsets = [0, 0], sizes = [1, 128], strides = [1, 1]} : vector<3x128xf32> to vector<1x128xf32>
    %add3A_205 = vector.broadcast %slice3A_204 : vector<1x128xf32> to vector<2112x128xf32>
    %add3A_206 = arith.addf %slice3A_203, %add3A_205 : vector<2112x128xf32>
    %slice3A_207 = vector.extract_strided_slice %dot_general3A_200 {offsets = [0, 0], sizes = [2112, 128], strides = [1, 1]} : vector<2112x384xf32> to vector<2112x128xf32>
    %add3A_208 = arith.addf %add3A_206, %slice3A_207 : vector<2112x128xf32>
    %slice3A_209 = vector.extract_strided_slice %get3A_16 {offsets = [0, 0], sizes = [1, 128], strides = [1, 1]} : vector<3x128xf32> to vector<1x128xf32>
    %add3A_210 = vector.broadcast %slice3A_209 : vector<1x128xf32> to vector<2112x128xf32>
    %add3A_211 = arith.addf %add3A_208, %add3A_210 : vector<2112x128xf32>
    %logistic3A_212 = arith.negf %add3A_211 : vector<2112x128xf32>
    %logistic3A_213 = math.exp %logistic3A_212 : vector<2112x128xf32>
    %logistic3A_214 = arith.constant 1.000000e+00 : f32
    %logistic3A_215 = vector.broadcast %logistic3A_214 : f32 to vector<2112x128xf32>
    %logistic3A_216 = arith.addf %logistic3A_215, %logistic3A_213 : vector<2112x128xf32>
    %logistic3A_217 = arith.divf %logistic3A_215, %logistic3A_216 : vector<2112x128xf32>
    %slice3A_218 = vector.extract_strided_slice %squeeze3A_202 {offsets = [0, 128], sizes = [2112, 128], strides = [1, 1]} : vector<2112x384xf32> to vector<2112x128xf32>
    %slice3A_219 = vector.extract_strided_slice %get3A_13 {offsets = [1, 0], sizes = [1, 128], strides = [1, 1]} : vector<3x128xf32> to vector<1x128xf32>
    %add3A_220 = vector.broadcast %slice3A_219 : vector<1x128xf32> to vector<2112x128xf32>
    %add3A_221 = arith.addf %slice3A_218, %add3A_220 : vector<2112x128xf32>
    %slice3A_222 = vector.extract_strided_slice %dot_general3A_200 {offsets = [0, 128], sizes = [2112, 128], strides = [1, 1]} : vector<2112x384xf32> to vector<2112x128xf32>
    %add3A_223 = arith.addf %add3A_221, %slice3A_222 : vector<2112x128xf32>
    %slice3A_224 = vector.extract_strided_slice %get3A_16 {offsets = [1, 0], sizes = [1, 128], strides = [1, 1]} : vector<3x128xf32> to vector<1x128xf32>
    %add3A_225 = vector.broadcast %slice3A_224 : vector<1x128xf32> to vector<2112x128xf32>
    %add3A_226 = arith.addf %add3A_223, %add3A_225 : vector<2112x128xf32>
    %logistic3A_227 = arith.negf %add3A_226 : vector<2112x128xf32>
    %logistic3A_228 = math.exp %logistic3A_227 : vector<2112x128xf32>
    %logistic3A_229 = arith.constant 1.000000e+00 : f32
    %logistic3A_230 = vector.broadcast %logistic3A_229 : f32 to vector<2112x128xf32>
    %logistic3A_231 = arith.addf %logistic3A_230, %logistic3A_228 : vector<2112x128xf32>
    %logistic3A_232 = arith.divf %logistic3A_230, %logistic3A_231 : vector<2112x128xf32>
    %slice3A_233 = vector.extract_strided_slice %squeeze3A_202 {offsets = [0, 256], sizes = [2112, 128], strides = [1, 1]} : vector<2112x384xf32> to vector<2112x128xf32>
    %slice3A_234 = vector.extract_strided_slice %get3A_13 {offsets = [2, 0], sizes = [1, 128], strides = [1, 1]} : vector<3x128xf32> to vector<1x128xf32>
    %add3A_235 = vector.broadcast %slice3A_234 : vector<1x128xf32> to vector<2112x128xf32>
    %add3A_236 = arith.addf %slice3A_233, %add3A_235 : vector<2112x128xf32>
    %slice3A_237 = vector.extract_strided_slice %dot_general3A_200 {offsets = [0, 256], sizes = [2112, 128], strides = [1, 1]} : vector<2112x384xf32> to vector<2112x128xf32>
    %slice3A_238 = vector.extract_strided_slice %get3A_16 {offsets = [2, 0], sizes = [1, 128], strides = [1, 1]} : vector<3x128xf32> to vector<1x128xf32>
    %add3A_239 = vector.broadcast %slice3A_238 : vector<1x128xf32> to vector<2112x128xf32>
    %add3A_240 = arith.addf %slice3A_237, %add3A_239 : vector<2112x128xf32>
    %mul3A_241 = arith.mulf %logistic3A_217, %add3A_240 : vector<2112x128xf32>
    %add3A_242 = arith.addf %add3A_236, %mul3A_241 : vector<2112x128xf32>
    %tanh3A_243 = math.tanh %add3A_242 : vector<2112x128xf32>
    %sub3A_244 = arith.constant 1.000000e+00 : f32
    %sub3A_245 = vector.broadcast %sub3A_244 : f32 to vector<2112x128xf32>
    %sub3A_246 = arith.subf %sub3A_245, %logistic3A_232 : vector<2112x128xf32>
    %mul3A_247 = arith.mulf %sub3A_246, %tanh3A_243 : vector<2112x128xf32>
    %mul3A_248 = arith.mulf %logistic3A_232, %select_n3A_194 : vector<2112x128xf32>
    %add3A_249 = arith.addf %mul3A_247, %mul3A_248 : vector<2112x128xf32>
    %slice3A_250 = vector.extract_strided_slice %get3A_10 {offsets = [0, 3], sizes = [2112, 1], strides = [1, 1]} : vector<2112x4xf32> to vector<2112x1xf32>
    %gt3A_251 = arith.constant 0.000000e+00 : f32
    %gt3A_252 = vector.broadcast %gt3A_251 : f32 to vector<2112x1xf32>
    %gt3A_253 = arith.cmpf ogt, %slice3A_250, %gt3A_252 : vector<2112x1xf32>
    %broadcast_in_dim3A_254 = vector.shape_cast %gt3A_253 : vector<2112x1xi1> to vector<2112x1xi1>
    %broadcast_in_dim3A_255 = vector.broadcast %broadcast_in_dim3A_254 : vector<2112x1xi1> to vector<2112x128xi1>
    %select_n3A_256 = arith.select %broadcast_in_dim3A_255, %add3A_249, %select_n3A_194 : vector<2112x128xi1>, vector<2112x128xf32>
    %swap3A = arith.constant 0 : index
    %swap3A_257 = arith.constant 0 : index
    %swap3A_258 = vector.load %arg7[%swap3A, %swap3A_257] : memref<2112x128xf32, #tpu.memory_space<vmem>>, vector<2112x128xf32>
    tpu.vector_store %arg7[%swap3A, %swap3A_257], %select_n3A_256 {strides = array<i32>} : memref<2112x128xf32, #tpu.memory_space<vmem>>, vector<2112x128xf32>,
    %reduce_sum3A = arith.constant dense<0.000000e+00> : vector<2112xf32>
    %reduce_sum3A_259 = vector.multi_reduction <add>, %get3A_10, %reduce_sum3A [1] : vector<2112x4xf32> to vector<2112xf32>
    %convert_element_type3A_260 = arith.fptosi %reduce_sum3A_259 : vector<2112xf32> to vector<2112xi32>
    %swap3A_261 = arith.constant 0 : index
    %swap3A_262 = arith.constant 0 : index
    %swap3A_263 = arith.constant 0 : index
    %swap3A_264 = vector.load %arg8[%swap3A_261, %swap3A_262, %swap3A_263] : memref<1x1x2112xi32, #tpu.memory_space<vmem>>, vector<1x1x2112xi32>
    %swap3A_265 = vector.shape_cast %swap3A_264 : vector<1x1x2112xi32> to vector<2112xi32>
    %swap3A_266 = vector.shape_cast %convert_element_type3A_260 : vector<2112xi32> to vector<1x1x2112xi32>
    tpu.vector_store %arg8[%swap3A_261, %swap3A_262, %swap3A_263], %swap3A_266 {strides = array<i32>} : memref<1x1x2112xi32, #tpu.memory_space<vmem>>, vector<1x1x2112xi32>,
    return
  }
  func.func @transform_0(%arg0: i32) -> (i32, i32, i32) {
    %c0_i32 = arith.constant 0 : i32
    %c0_i32_0 = arith.constant 0 : i32
    %c0_i32_1 = arith.constant 0 : i32
    return %c0_i32, %arg0, %c0_i32_0 : i32, i32, i32
  }
  func.func @transform_1(%arg0: i32) -> (i32, i32) {
    %c0_i32 = arith.constant 0 : i32
    %c0_i32_0 = arith.constant 0 : i32
    return %arg0, %c0_i32 : i32, i32
  }
  func.func @transform_2(%arg0: i32) -> (i32, i32) {
    %c0_i32 = arith.constant 0 : i32
    %c0_i32_0 = arith.constant 0 : i32
    %c0_i32_1 = arith.constant 0 : i32
    return %c0_i32, %c0_i32_0 : i32, i32
  }
  func.func @transform_3(%arg0: i32) -> (i32, i32) {
    %c0_i32 = arith.constant 0 : i32
    %c0_i32_0 = arith.constant 0 : i32
    %c0_i32_1 = arith.constant 0 : i32
    return %c0_i32, %c0_i32_0 : i32, i32
  }
  func.func @transform_4(%arg0: i32) -> (i32, i32) {
    %c0_i32 = arith.constant 0 : i32
    %c0_i32_0 = arith.constant 0 : i32
    %c0_i32_1 = arith.constant 0 : i32
    return %c0_i32, %c0_i32_0 : i32, i32
  }
  func.func @transform_5(%arg0: i32) -> (i32, i32) {
    %c0_i32 = arith.constant 0 : i32
    %c0_i32_0 = arith.constant 0 : i32
    %c0_i32_1 = arith.constant 0 : i32
    return %c0_i32, %c0_i32_0 : i32, i32
  }
  func.func @transform_6(%arg0: i32) -> (i32, i32) {
    %c0_i32 = arith.constant 0 : i32
    %c0_i32_0 = arith.constant 0 : i32
    return %arg0, %c0_i32 : i32, i32
  }
  func.func @transform_7(%arg0: i32) -> (i32, i32, i32) {
    %c0_i32 = arith.constant 0 : i32
    %c0_i32_0 = arith.constant 0 : i32
    %c0_i32_1 = arith.constant 0 : i32
    return %arg0, %c0_i32, %c0_i32_0 : i32, i32, i32
  }
}

module attributes {stable_mosaic.version = 14 : i64} {
  func.func @_conv_body(%arg0: i32, %arg1: memref<2112x128xf32, #tpu.memory_space<vmem>>, %arg2: memref<2112x128xf32, #tpu.memory_space<vmem>>, %arg3: memref<2112x128xf32, #tpu.memory_space<vmem>>, %arg4: memref<24x256x128xbf16, #tpu.memory_space<vmem>>, %arg5: memref<1x128x128xbf16, #tpu.memory_space<vmem>>, %arg6: memref<2112x128xf32, #tpu.memory_space<vmem>>, %arg7: memref<1x8x128xf32, #tpu.memory_space<vmem>>) attributes {dimension_semantics = [#tpu.dimension_semantics<arbitrary>], iteration_bounds = array<i64: 32>, scalar_prefetch = 0 : i64, scratch_operands = 0 : i64, tpu.core_type = #tpu.core_type<tc>, window_params = [{transform_indices = @transform_0, window_bounds = array<i64: 2112, 128>}, {transform_indices = @transform_1, window_bounds = array<i64: 2112, 128>}, {transform_indices = @transform_2, window_bounds = array<i64: 2112, 128>}, {pipeline_mode = #tpu.pipeline_mode<synchronous>, transform_indices = @transform_3, window_bounds = array<i64: 24, 256, 128>}, {pipeline_mode = #tpu.pipeline_mode<synchronous>, transform_indices = @transform_4, window_bounds = array<i64: 1, 128, 128>}, {transform_indices = @transform_5, window_bounds = array<i64: 2112, 128>}, {transform_indices = @transform_6, window_bounds = array<i64: 1, 8, 128>}]} {
    %iota3A = tpu.iota {dimensions = array<i32: 0>} : vector<2112x1xi32>
    %jit3A = arith.constant 264 : i32
    %eq3A = arith.constant 0 : i32
    %eq3A_0 = arith.cmpi eq, %jit3A, %eq3A : i32
    %jit3A_1 = arith.constant 1 : i32
    %select_n3A = arith.select %eq3A_0, %jit3A_1, %jit3A : i32
    %rem3A = vector.broadcast %select_n3A : i32 to vector<2112x1xi32>
    %rem3A_2 = arith.remsi %iota3A, %rem3A : vector<2112x1xi32>
    %ne3A = arith.constant 0 : i32
    %ne3A_3 = vector.broadcast %ne3A : i32 to vector<2112x1xi32>
    %ne3A_4 = arith.cmpi ne, %rem3A_2, %ne3A_3 : vector<2112x1xi32>
    %lt3A = arith.constant 0 : i32
    %lt3A_5 = vector.broadcast %lt3A : i32 to vector<2112x1xi32>
    %lt3A_6 = arith.cmpi slt, %rem3A_2, %lt3A_5 : vector<2112x1xi32>
    %lt3A_7 = arith.constant 0 : i32
    %lt3A_8 = arith.cmpi slt, %select_n3A, %lt3A_7 : i32
    %ne3A_9 = vector.broadcast %lt3A_8 : i1 to vector<2112x1xi1>
    %ne3A_10 = vector.broadcast %ne3A_9 : vector<2112x1xi1> to vector<2112x1xi1>
    %ne3A_11 = arith.xori %lt3A_6, %ne3A_10 : vector<2112x1xi1>
    %and3A = arith.andi %ne3A_11, %ne3A_4 : vector<2112x1xi1>
    %add3A = vector.broadcast %select_n3A : i32 to vector<2112x1xi32>
    %add3A_12 = arith.addi %rem3A_2, %add3A : vector<2112x1xi32>
    %select_n3A_13 = arith.select %and3A, %add3A_12, %rem3A_2 : vector<2112x1xi1>, vector<2112x1xi32>
    %ge3A = arith.constant 4 : i32
    %ge3A_14 = vector.broadcast %ge3A : i32 to vector<2112x1xi32>
    %ge3A_15 = arith.cmpi sge, %select_n3A_13, %ge3A_14 : vector<2112x1xi32>
    %lt3A_16 = arith.constant 260 : i32
    %lt3A_17 = vector.broadcast %lt3A_16 : i32 to vector<2112x1xi32>
    %lt3A_18 = arith.cmpi slt, %select_n3A_13, %lt3A_17 : vector<2112x1xi32>
    %and3A_19 = arith.andi %ge3A_15, %lt3A_18 : vector<2112x1xi1>
    %get3A = arith.constant 0 : index
    %get3A_20 = arith.constant 0 : index
    %get3A_21 = vector.load %arg1[%get3A, %get3A_20] : memref<2112x128xf32, #tpu.memory_space<vmem>>, vector<2112x128xf32>
    %get3A_22 = arith.constant 0 : index
    %get3A_23 = arith.constant 0 : index
    %get3A_24 = vector.load %arg2[%get3A_22, %get3A_23] : memref<2112x128xf32, #tpu.memory_space<vmem>>, vector<2112x128xf32>
    %get3A_25 = arith.constant 0 : index
    %get3A_26 = arith.constant 0 : index
    %get3A_27 = vector.load %arg3[%get3A_25, %get3A_26] : memref<2112x128xf32, #tpu.memory_space<vmem>>, vector<2112x128xf32>
    %concatenate3A = tpu.concatenate %get3A_21, %get3A_24, %get3A_27 in 0 : vector<2112x128xf32>, vector<2112x128xf32>, vector<2112x128xf32> -> vector<6336x128xf32>
    %convert_element_type3A = arith.truncf %concatenate3A : vector<6336x128xf32> to vector<6336x128xbf16>
    %broadcast_in_dim3A = arith.constant 0.000000e+00 : f32
    %broadcast_in_dim3A_28 = vector.broadcast %broadcast_in_dim3A : f32 to vector<2112x128xf32>
    %slice3A = vector.extract_strided_slice %convert_element_type3A {offsets = [1317, 0], sizes = [2112, 128], strides = [1, 1]} : vector<6336x128xbf16> to vector<2112x128xbf16>
    %slice3A_29 = vector.extract_strided_slice %convert_element_type3A {offsets = [1318, 0], sizes = [2112, 128], strides = [1, 1]} : vector<6336x128xbf16> to vector<2112x128xbf16>
    %concatenate3A_30 = tpu.concatenate %slice3A, %slice3A_29 in 1 : vector<2112x128xbf16>, vector<2112x128xbf16> -> vector<2112x256xbf16>
    %get3A_31 = arith.constant 0 : index
    %get3A_32 = arith.constant 0 : index
    %get3A_33 = arith.constant 0 : index
    %get3A_34 = vector.load %arg4[%get3A_31, %get3A_32, %get3A_33] : memref<24x256x128xbf16, #tpu.memory_space<vmem>>, vector<1x256x128xbf16>
    %get3A_35 = vector.shape_cast %get3A_34 : vector<1x256x128xbf16> to vector<256x128xbf16>
    %dot_general3A = arith.constant dense<0.000000e+00> : vector<2112x128xf32>
    %dot_general3A_36 = tpu.matmul %concatenate3A_30, %get3A_35, %dot_general3A {dimension_numbers = #tpu.dot_dimension_numbers<[1], [0], [0], [1], [0, 0, 1, 1], [], []>, transpose_lhs_hint = false} : vector<2112x256xbf16>, vector<256x128xbf16>, vector<2112x128xf32> -> vector<2112x128xf32>
    %add3A_37 = arith.addf %broadcast_in_dim3A_28, %dot_general3A_36 : vector<2112x128xf32>
    %slice3A_38 = vector.extract_strided_slice %convert_element_type3A {offsets = [1319, 0], sizes = [2112, 128], strides = [1, 1]} : vector<6336x128xbf16> to vector<2112x128xbf16>
    %slice3A_39 = vector.extract_strided_slice %convert_element_type3A {offsets = [1320, 0], sizes = [2112, 128], strides = [1, 1]} : vector<6336x128xbf16> to vector<2112x128xbf16>
    %concatenate3A_40 = tpu.concatenate %slice3A_38, %slice3A_39 in 1 : vector<2112x128xbf16>, vector<2112x128xbf16> -> vector<2112x256xbf16>
    %get3A_41 = arith.constant 1 : index
    %get3A_42 = arith.constant 0 : index
    %get3A_43 = arith.constant 0 : index
    %get3A_44 = vector.load %arg4[%get3A_41, %get3A_42, %get3A_43] : memref<24x256x128xbf16, #tpu.memory_space<vmem>>, vector<1x256x128xbf16>
    %get3A_45 = vector.shape_cast %get3A_44 : vector<1x256x128xbf16> to vector<256x128xbf16>
    %dot_general3A_46 = arith.constant dense<0.000000e+00> : vector<2112x128xf32>
    %dot_general3A_47 = tpu.matmul %concatenate3A_40, %get3A_45, %dot_general3A_46 {dimension_numbers = #tpu.dot_dimension_numbers<[1], [0], [0], [1], [0, 0, 1, 1], [], []>, transpose_lhs_hint = false} : vector<2112x256xbf16>, vector<256x128xbf16>, vector<2112x128xf32> -> vector<2112x128xf32>
    %add3A_48 = arith.addf %add3A_37, %dot_general3A_47 : vector<2112x128xf32>
    %slice3A_49 = vector.extract_strided_slice %convert_element_type3A {offsets = [1321, 0], sizes = [2112, 128], strides = [1, 1]} : vector<6336x128xbf16> to vector<2112x128xbf16>
    %slice3A_50 = vector.extract_strided_slice %convert_element_type3A {offsets = [1322, 0], sizes = [2112, 128], strides = [1, 1]} : vector<6336x128xbf16> to vector<2112x128xbf16>
    %concatenate3A_51 = tpu.concatenate %slice3A_49, %slice3A_50 in 1 : vector<2112x128xbf16>, vector<2112x128xbf16> -> vector<2112x256xbf16>
    %get3A_52 = arith.constant 2 : index
    %get3A_53 = arith.constant 0 : index
    %get3A_54 = arith.constant 0 : index
    %get3A_55 = vector.load %arg4[%get3A_52, %get3A_53, %get3A_54] : memref<24x256x128xbf16, #tpu.memory_space<vmem>>, vector<1x256x128xbf16>
    %get3A_56 = vector.shape_cast %get3A_55 : vector<1x256x128xbf16> to vector<256x128xbf16>
    %dot_general3A_57 = arith.constant dense<0.000000e+00> : vector<2112x128xf32>
    %dot_general3A_58 = tpu.matmul %concatenate3A_51, %get3A_56, %dot_general3A_57 {dimension_numbers = #tpu.dot_dimension_numbers<[1], [0], [0], [1], [0, 0, 1, 1], [], []>, transpose_lhs_hint = false} : vector<2112x256xbf16>, vector<256x128xbf16>, vector<2112x128xf32> -> vector<2112x128xf32>
    %add3A_59 = arith.addf %add3A_48, %dot_general3A_58 : vector<2112x128xf32>
    %slice3A_60 = vector.extract_strided_slice %convert_element_type3A {offsets = [1323, 0], sizes = [2112, 128], strides = [1, 1]} : vector<6336x128xbf16> to vector<2112x128xbf16>
    %slice3A_61 = vector.extract_strided_slice %convert_element_type3A {offsets = [1581, 0], sizes = [2112, 128], strides = [1, 1]} : vector<6336x128xbf16> to vector<2112x128xbf16>
    %concatenate3A_62 = tpu.concatenate %slice3A_60, %slice3A_61 in 1 : vector<2112x128xbf16>, vector<2112x128xbf16> -> vector<2112x256xbf16>
    %get3A_63 = arith.constant 3 : index
    %get3A_64 = arith.constant 0 : index
    %get3A_65 = arith.constant 0 : index
    %get3A_66 = vector.load %arg4[%get3A_63, %get3A_64, %get3A_65] : memref<24x256x128xbf16, #tpu.memory_space<vmem>>, vector<1x256x128xbf16>
    %get3A_67 = vector.shape_cast %get3A_66 : vector<1x256x128xbf16> to vector<256x128xbf16>
    %dot_general3A_68 = arith.constant dense<0.000000e+00> : vector<2112x128xf32>
    %dot_general3A_69 = tpu.matmul %concatenate3A_62, %get3A_67, %dot_general3A_68 {dimension_numbers = #tpu.dot_dimension_numbers<[1], [0], [0], [1], [0, 0, 1, 1], [], []>, transpose_lhs_hint = false} : vector<2112x256xbf16>, vector<256x128xbf16>, vector<2112x128xf32> -> vector<2112x128xf32>
    %add3A_70 = arith.addf %add3A_59, %dot_general3A_69 : vector<2112x128xf32>
    %slice3A_71 = vector.extract_strided_slice %convert_element_type3A {offsets = [1582, 0], sizes = [2112, 128], strides = [1, 1]} : vector<6336x128xbf16> to vector<2112x128xbf16>
    %slice3A_72 = vector.extract_strided_slice %convert_element_type3A {offsets = [1583, 0], sizes = [2112, 128], strides = [1, 1]} : vector<6336x128xbf16> to vector<2112x128xbf16>
    %concatenate3A_73 = tpu.concatenate %slice3A_71, %slice3A_72 in 1 : vector<2112x128xbf16>, vector<2112x128xbf16> -> vector<2112x256xbf16>
    %get3A_74 = arith.constant 4 : index
    %get3A_75 = arith.constant 0 : index
    %get3A_76 = arith.constant 0 : index
    %get3A_77 = vector.load %arg4[%get3A_74, %get3A_75, %get3A_76] : memref<24x256x128xbf16, #tpu.memory_space<vmem>>, vector<1x256x128xbf16>
    %get3A_78 = vector.shape_cast %get3A_77 : vector<1x256x128xbf16> to vector<256x128xbf16>
    %dot_general3A_79 = arith.constant dense<0.000000e+00> : vector<2112x128xf32>
    %dot_general3A_80 = tpu.matmul %concatenate3A_73, %get3A_78, %dot_general3A_79 {dimension_numbers = #tpu.dot_dimension_numbers<[1], [0], [0], [1], [0, 0, 1, 1], [], []>, transpose_lhs_hint = false} : vector<2112x256xbf16>, vector<256x128xbf16>, vector<2112x128xf32> -> vector<2112x128xf32>
    %add3A_81 = arith.addf %add3A_70, %dot_general3A_80 : vector<2112x128xf32>
    %slice3A_82 = vector.extract_strided_slice %convert_element_type3A {offsets = [1584, 0], sizes = [2112, 128], strides = [1, 1]} : vector<6336x128xbf16> to vector<2112x128xbf16>
    %slice3A_83 = vector.extract_strided_slice %convert_element_type3A {offsets = [1585, 0], sizes = [2112, 128], strides = [1, 1]} : vector<6336x128xbf16> to vector<2112x128xbf16>
    %concatenate3A_84 = tpu.concatenate %slice3A_82, %slice3A_83 in 1 : vector<2112x128xbf16>, vector<2112x128xbf16> -> vector<2112x256xbf16>
    %get3A_85 = arith.constant 5 : index
    %get3A_86 = arith.constant 0 : index
    %get3A_87 = arith.constant 0 : index
    %get3A_88 = vector.load %arg4[%get3A_85, %get3A_86, %get3A_87] : memref<24x256x128xbf16, #tpu.memory_space<vmem>>, vector<1x256x128xbf16>
    %get3A_89 = vector.shape_cast %get3A_88 : vector<1x256x128xbf16> to vector<256x128xbf16>
    %dot_general3A_90 = arith.constant dense<0.000000e+00> : vector<2112x128xf32>
    %dot_general3A_91 = tpu.matmul %concatenate3A_84, %get3A_89, %dot_general3A_90 {dimension_numbers = #tpu.dot_dimension_numbers<[1], [0], [0], [1], [0, 0, 1, 1], [], []>, transpose_lhs_hint = false} : vector<2112x256xbf16>, vector<256x128xbf16>, vector<2112x128xf32> -> vector<2112x128xf32>
    %add3A_92 = arith.addf %add3A_81, %dot_general3A_91 : vector<2112x128xf32>
    %slice3A_93 = vector.extract_strided_slice %convert_element_type3A {offsets = [1586, 0], sizes = [2112, 128], strides = [1, 1]} : vector<6336x128xbf16> to vector<2112x128xbf16>
    %slice3A_94 = vector.extract_strided_slice %convert_element_type3A {offsets = [1587, 0], sizes = [2112, 128], strides = [1, 1]} : vector<6336x128xbf16> to vector<2112x128xbf16>
    %concatenate3A_95 = tpu.concatenate %slice3A_93, %slice3A_94 in 1 : vector<2112x128xbf16>, vector<2112x128xbf16> -> vector<2112x256xbf16>
    %get3A_96 = arith.constant 6 : index
    %get3A_97 = arith.constant 0 : index
    %get3A_98 = arith.constant 0 : index
    %get3A_99 = vector.load %arg4[%get3A_96, %get3A_97, %get3A_98] : memref<24x256x128xbf16, #tpu.memory_space<vmem>>, vector<1x256x128xbf16>
    %get3A_100 = vector.shape_cast %get3A_99 : vector<1x256x128xbf16> to vector<256x128xbf16>
    %dot_general3A_101 = arith.constant dense<0.000000e+00> : vector<2112x128xf32>
    %dot_general3A_102 = tpu.matmul %concatenate3A_95, %get3A_100, %dot_general3A_101 {dimension_numbers = #tpu.dot_dimension_numbers<[1], [0], [0], [1], [0, 0, 1, 1], [], []>, transpose_lhs_hint = false} : vector<2112x256xbf16>, vector<256x128xbf16>, vector<2112x128xf32> -> vector<2112x128xf32>
    %add3A_103 = arith.addf %add3A_92, %dot_general3A_102 : vector<2112x128xf32>
    %slice3A_104 = vector.extract_strided_slice %convert_element_type3A {offsets = [1845, 0], sizes = [2112, 128], strides = [1, 1]} : vector<6336x128xbf16> to vector<2112x128xbf16>
    %slice3A_105 = vector.extract_strided_slice %convert_element_type3A {offsets = [1846, 0], sizes = [2112, 128], strides = [1, 1]} : vector<6336x128xbf16> to vector<2112x128xbf16>
    %concatenate3A_106 = tpu.concatenate %slice3A_104, %slice3A_105 in 1 : vector<2112x128xbf16>, vector<2112x128xbf16> -> vector<2112x256xbf16>
    %get3A_107 = arith.constant 7 : index
    %get3A_108 = arith.constant 0 : index
    %get3A_109 = arith.constant 0 : index
    %get3A_110 = vector.load %arg4[%get3A_107, %get3A_108, %get3A_109] : memref<24x256x128xbf16, #tpu.memory_space<vmem>>, vector<1x256x128xbf16>
    %get3A_111 = vector.shape_cast %get3A_110 : vector<1x256x128xbf16> to vector<256x128xbf16>
    %dot_general3A_112 = arith.constant dense<0.000000e+00> : vector<2112x128xf32>
    %dot_general3A_113 = tpu.matmul %concatenate3A_106, %get3A_111, %dot_general3A_112 {dimension_numbers = #tpu.dot_dimension_numbers<[1], [0], [0], [1], [0, 0, 1, 1], [], []>, transpose_lhs_hint = false} : vector<2112x256xbf16>, vector<256x128xbf16>, vector<2112x128xf32> -> vector<2112x128xf32>
    %add3A_114 = arith.addf %add3A_103, %dot_general3A_113 : vector<2112x128xf32>
    %slice3A_115 = vector.extract_strided_slice %convert_element_type3A {offsets = [1847, 0], sizes = [2112, 128], strides = [1, 1]} : vector<6336x128xbf16> to vector<2112x128xbf16>
    %slice3A_116 = vector.extract_strided_slice %convert_element_type3A {offsets = [1848, 0], sizes = [2112, 128], strides = [1, 1]} : vector<6336x128xbf16> to vector<2112x128xbf16>
    %concatenate3A_117 = tpu.concatenate %slice3A_115, %slice3A_116 in 1 : vector<2112x128xbf16>, vector<2112x128xbf16> -> vector<2112x256xbf16>
    %get3A_118 = arith.constant 8 : index
    %get3A_119 = arith.constant 0 : index
    %get3A_120 = arith.constant 0 : index
    %get3A_121 = vector.load %arg4[%get3A_118, %get3A_119, %get3A_120] : memref<24x256x128xbf16, #tpu.memory_space<vmem>>, vector<1x256x128xbf16>
    %get3A_122 = vector.shape_cast %get3A_121 : vector<1x256x128xbf16> to vector<256x128xbf16>
    %dot_general3A_123 = arith.constant dense<0.000000e+00> : vector<2112x128xf32>
    %dot_general3A_124 = tpu.matmul %concatenate3A_117, %get3A_122, %dot_general3A_123 {dimension_numbers = #tpu.dot_dimension_numbers<[1], [0], [0], [1], [0, 0, 1, 1], [], []>, transpose_lhs_hint = false} : vector<2112x256xbf16>, vector<256x128xbf16>, vector<2112x128xf32> -> vector<2112x128xf32>
    %add3A_125 = arith.addf %add3A_114, %dot_general3A_124 : vector<2112x128xf32>
    %slice3A_126 = vector.extract_strided_slice %convert_element_type3A {offsets = [1849, 0], sizes = [2112, 128], strides = [1, 1]} : vector<6336x128xbf16> to vector<2112x128xbf16>
    %slice3A_127 = vector.extract_strided_slice %convert_element_type3A {offsets = [1850, 0], sizes = [2112, 128], strides = [1, 1]} : vector<6336x128xbf16> to vector<2112x128xbf16>
    %concatenate3A_128 = tpu.concatenate %slice3A_126, %slice3A_127 in 1 : vector<2112x128xbf16>, vector<2112x128xbf16> -> vector<2112x256xbf16>
    %get3A_129 = arith.constant 9 : index
    %get3A_130 = arith.constant 0 : index
    %get3A_131 = arith.constant 0 : index
    %get3A_132 = vector.load %arg4[%get3A_129, %get3A_130, %get3A_131] : memref<24x256x128xbf16, #tpu.memory_space<vmem>>, vector<1x256x128xbf16>
    %get3A_133 = vector.shape_cast %get3A_132 : vector<1x256x128xbf16> to vector<256x128xbf16>
    %dot_general3A_134 = arith.constant dense<0.000000e+00> : vector<2112x128xf32>
    %dot_general3A_135 = tpu.matmul %concatenate3A_128, %get3A_133, %dot_general3A_134 {dimension_numbers = #tpu.dot_dimension_numbers<[1], [0], [0], [1], [0, 0, 1, 1], [], []>, transpose_lhs_hint = false} : vector<2112x256xbf16>, vector<256x128xbf16>, vector<2112x128xf32> -> vector<2112x128xf32>
    %add3A_136 = arith.addf %add3A_125, %dot_general3A_135 : vector<2112x128xf32>
    %slice3A_137 = vector.extract_strided_slice %convert_element_type3A {offsets = [1851, 0], sizes = [2112, 128], strides = [1, 1]} : vector<6336x128xbf16> to vector<2112x128xbf16>
    %slice3A_138 = vector.extract_strided_slice %convert_element_type3A {offsets = [2109, 0], sizes = [2112, 128], strides = [1, 1]} : vector<6336x128xbf16> to vector<2112x128xbf16>
    %concatenate3A_139 = tpu.concatenate %slice3A_137, %slice3A_138 in 1 : vector<2112x128xbf16>, vector<2112x128xbf16> -> vector<2112x256xbf16>
    %get3A_140 = arith.constant 10 : index
    %get3A_141 = arith.constant 0 : index
    %get3A_142 = arith.constant 0 : index
    %get3A_143 = vector.load %arg4[%get3A_140, %get3A_141, %get3A_142] : memref<24x256x128xbf16, #tpu.memory_space<vmem>>, vector<1x256x128xbf16>
    %get3A_144 = vector.shape_cast %get3A_143 : vector<1x256x128xbf16> to vector<256x128xbf16>
    %dot_general3A_145 = arith.constant dense<0.000000e+00> : vector<2112x128xf32>
    %dot_general3A_146 = tpu.matmul %concatenate3A_139, %get3A_144, %dot_general3A_145 {dimension_numbers = #tpu.dot_dimension_numbers<[1], [0], [0], [1], [0, 0, 1, 1], [], []>, transpose_lhs_hint = false} : vector<2112x256xbf16>, vector<256x128xbf16>, vector<2112x128xf32> -> vector<2112x128xf32>
    %add3A_147 = arith.addf %add3A_136, %dot_general3A_146 : vector<2112x128xf32>
    %slice3A_148 = vector.extract_strided_slice %convert_element_type3A {offsets = [2110, 0], sizes = [2112, 128], strides = [1, 1]} : vector<6336x128xbf16> to vector<2112x128xbf16>
    %slice3A_149 = vector.extract_strided_slice %convert_element_type3A {offsets = [2111, 0], sizes = [2112, 128], strides = [1, 1]} : vector<6336x128xbf16> to vector<2112x128xbf16>
    %concatenate3A_150 = tpu.concatenate %slice3A_148, %slice3A_149 in 1 : vector<2112x128xbf16>, vector<2112x128xbf16> -> vector<2112x256xbf16>
    %get3A_151 = arith.constant 11 : index
    %get3A_152 = arith.constant 0 : index
    %get3A_153 = arith.constant 0 : index
    %get3A_154 = vector.load %arg4[%get3A_151, %get3A_152, %get3A_153] : memref<24x256x128xbf16, #tpu.memory_space<vmem>>, vector<1x256x128xbf16>
    %get3A_155 = vector.shape_cast %get3A_154 : vector<1x256x128xbf16> to vector<256x128xbf16>
    %dot_general3A_156 = arith.constant dense<0.000000e+00> : vector<2112x128xf32>
    %dot_general3A_157 = tpu.matmul %concatenate3A_150, %get3A_155, %dot_general3A_156 {dimension_numbers = #tpu.dot_dimension_numbers<[1], [0], [0], [1], [0, 0, 1, 1], [], []>, transpose_lhs_hint = false} : vector<2112x256xbf16>, vector<256x128xbf16>, vector<2112x128xf32> -> vector<2112x128xf32>
    %add3A_158 = arith.addf %add3A_147, %dot_general3A_157 : vector<2112x128xf32>
    %slice3A_159 = vector.extract_strided_slice %convert_element_type3A {offsets = [2112, 0], sizes = [2112, 128], strides = [1, 1]} : vector<6336x128xbf16> to vector<2112x128xbf16>
    %slice3A_160 = vector.extract_strided_slice %convert_element_type3A {offsets = [2113, 0], sizes = [2112, 128], strides = [1, 1]} : vector<6336x128xbf16> to vector<2112x128xbf16>
    %concatenate3A_161 = tpu.concatenate %slice3A_159, %slice3A_160 in 1 : vector<2112x128xbf16>, vector<2112x128xbf16> -> vector<2112x256xbf16>
    %get3A_162 = arith.constant 12 : index
    %get3A_163 = arith.constant 0 : index
    %get3A_164 = arith.constant 0 : index
    %get3A_165 = vector.load %arg4[%get3A_162, %get3A_163, %get3A_164] : memref<24x256x128xbf16, #tpu.memory_space<vmem>>, vector<1x256x128xbf16>
    %get3A_166 = vector.shape_cast %get3A_165 : vector<1x256x128xbf16> to vector<256x128xbf16>
    %dot_general3A_167 = arith.constant dense<0.000000e+00> : vector<2112x128xf32>
    %dot_general3A_168 = tpu.matmul %concatenate3A_161, %get3A_166, %dot_general3A_167 {dimension_numbers = #tpu.dot_dimension_numbers<[1], [0], [0], [1], [0, 0, 1, 1], [], []>, transpose_lhs_hint = false} : vector<2112x256xbf16>, vector<256x128xbf16>, vector<2112x128xf32> -> vector<2112x128xf32>
    %add3A_169 = arith.addf %add3A_158, %dot_general3A_168 : vector<2112x128xf32>
    %slice3A_170 = vector.extract_strided_slice %convert_element_type3A {offsets = [2114, 0], sizes = [2112, 128], strides = [1, 1]} : vector<6336x128xbf16> to vector<2112x128xbf16>
    %slice3A_171 = vector.extract_strided_slice %convert_element_type3A {offsets = [2115, 0], sizes = [2112, 128], strides = [1, 1]} : vector<6336x128xbf16> to vector<2112x128xbf16>
    %concatenate3A_172 = tpu.concatenate %slice3A_170, %slice3A_171 in 1 : vector<2112x128xbf16>, vector<2112x128xbf16> -> vector<2112x256xbf16>
    %get3A_173 = arith.constant 13 : index
    %get3A_174 = arith.constant 0 : index
    %get3A_175 = arith.constant 0 : index
    %get3A_176 = vector.load %arg4[%get3A_173, %get3A_174, %get3A_175] : memref<24x256x128xbf16, #tpu.memory_space<vmem>>, vector<1x256x128xbf16>
    %get3A_177 = vector.shape_cast %get3A_176 : vector<1x256x128xbf16> to vector<256x128xbf16>
    %dot_general3A_178 = arith.constant dense<0.000000e+00> : vector<2112x128xf32>
    %dot_general3A_179 = tpu.matmul %concatenate3A_172, %get3A_177, %dot_general3A_178 {dimension_numbers = #tpu.dot_dimension_numbers<[1], [0], [0], [1], [0, 0, 1, 1], [], []>, transpose_lhs_hint = false} : vector<2112x256xbf16>, vector<256x128xbf16>, vector<2112x128xf32> -> vector<2112x128xf32>
    %add3A_180 = arith.addf %add3A_169, %dot_general3A_179 : vector<2112x128xf32>
    %slice3A_181 = vector.extract_strided_slice %convert_element_type3A {offsets = [2373, 0], sizes = [2112, 128], strides = [1, 1]} : vector<6336x128xbf16> to vector<2112x128xbf16>
    %slice3A_182 = vector.extract_strided_slice %convert_element_type3A {offsets = [2374, 0], sizes = [2112, 128], strides = [1, 1]} : vector<6336x128xbf16> to vector<2112x128xbf16>
    %concatenate3A_183 = tpu.concatenate %slice3A_181, %slice3A_182 in 1 : vector<2112x128xbf16>, vector<2112x128xbf16> -> vector<2112x256xbf16>
    %get3A_184 = arith.constant 14 : index
    %get3A_185 = arith.constant 0 : index
    %get3A_186 = arith.constant 0 : index
    %get3A_187 = vector.load %arg4[%get3A_184, %get3A_185, %get3A_186] : memref<24x256x128xbf16, #tpu.memory_space<vmem>>, vector<1x256x128xbf16>
    %get3A_188 = vector.shape_cast %get3A_187 : vector<1x256x128xbf16> to vector<256x128xbf16>
    %dot_general3A_189 = arith.constant dense<0.000000e+00> : vector<2112x128xf32>
    %dot_general3A_190 = tpu.matmul %concatenate3A_183, %get3A_188, %dot_general3A_189 {dimension_numbers = #tpu.dot_dimension_numbers<[1], [0], [0], [1], [0, 0, 1, 1], [], []>, transpose_lhs_hint = false} : vector<2112x256xbf16>, vector<256x128xbf16>, vector<2112x128xf32> -> vector<2112x128xf32>
    %add3A_191 = arith.addf %add3A_180, %dot_general3A_190 : vector<2112x128xf32>
    %slice3A_192 = vector.extract_strided_slice %convert_element_type3A {offsets = [2375, 0], sizes = [2112, 128], strides = [1, 1]} : vector<6336x128xbf16> to vector<2112x128xbf16>
    %slice3A_193 = vector.extract_strided_slice %convert_element_type3A {offsets = [2376, 0], sizes = [2112, 128], strides = [1, 1]} : vector<6336x128xbf16> to vector<2112x128xbf16>
    %concatenate3A_194 = tpu.concatenate %slice3A_192, %slice3A_193 in 1 : vector<2112x128xbf16>, vector<2112x128xbf16> -> vector<2112x256xbf16>
    %get3A_195 = arith.constant 15 : index
    %get3A_196 = arith.constant 0 : index
    %get3A_197 = arith.constant 0 : index
    %get3A_198 = vector.load %arg4[%get3A_195, %get3A_196, %get3A_197] : memref<24x256x128xbf16, #tpu.memory_space<vmem>>, vector<1x256x128xbf16>
    %get3A_199 = vector.shape_cast %get3A_198 : vector<1x256x128xbf16> to vector<256x128xbf16>
    %dot_general3A_200 = arith.constant dense<0.000000e+00> : vector<2112x128xf32>
    %dot_general3A_201 = tpu.matmul %concatenate3A_194, %get3A_199, %dot_general3A_200 {dimension_numbers = #tpu.dot_dimension_numbers<[1], [0], [0], [1], [0, 0, 1, 1], [], []>, transpose_lhs_hint = false} : vector<2112x256xbf16>, vector<256x128xbf16>, vector<2112x128xf32> -> vector<2112x128xf32>
    %add3A_202 = arith.addf %add3A_191, %dot_general3A_201 : vector<2112x128xf32>
    %slice3A_203 = vector.extract_strided_slice %convert_element_type3A {offsets = [2377, 0], sizes = [2112, 128], strides = [1, 1]} : vector<6336x128xbf16> to vector<2112x128xbf16>
    %slice3A_204 = vector.extract_strided_slice %convert_element_type3A {offsets = [2378, 0], sizes = [2112, 128], strides = [1, 1]} : vector<6336x128xbf16> to vector<2112x128xbf16>
    %concatenate3A_205 = tpu.concatenate %slice3A_203, %slice3A_204 in 1 : vector<2112x128xbf16>, vector<2112x128xbf16> -> vector<2112x256xbf16>
    %get3A_206 = arith.constant 16 : index
    %get3A_207 = arith.constant 0 : index
    %get3A_208 = arith.constant 0 : index
    %get3A_209 = vector.load %arg4[%get3A_206, %get3A_207, %get3A_208] : memref<24x256x128xbf16, #tpu.memory_space<vmem>>, vector<1x256x128xbf16>
    %get3A_210 = vector.shape_cast %get3A_209 : vector<1x256x128xbf16> to vector<256x128xbf16>
    %dot_general3A_211 = arith.constant dense<0.000000e+00> : vector<2112x128xf32>
    %dot_general3A_212 = tpu.matmul %concatenate3A_205, %get3A_210, %dot_general3A_211 {dimension_numbers = #tpu.dot_dimension_numbers<[1], [0], [0], [1], [0, 0, 1, 1], [], []>, transpose_lhs_hint = false} : vector<2112x256xbf16>, vector<256x128xbf16>, vector<2112x128xf32> -> vector<2112x128xf32>
    %add3A_213 = arith.addf %add3A_202, %dot_general3A_212 : vector<2112x128xf32>
    %slice3A_214 = vector.extract_strided_slice %convert_element_type3A {offsets = [2379, 0], sizes = [2112, 128], strides = [1, 1]} : vector<6336x128xbf16> to vector<2112x128xbf16>
    %slice3A_215 = vector.extract_strided_slice %convert_element_type3A {offsets = [2637, 0], sizes = [2112, 128], strides = [1, 1]} : vector<6336x128xbf16> to vector<2112x128xbf16>
    %concatenate3A_216 = tpu.concatenate %slice3A_214, %slice3A_215 in 1 : vector<2112x128xbf16>, vector<2112x128xbf16> -> vector<2112x256xbf16>
    %get3A_217 = arith.constant 17 : index
    %get3A_218 = arith.constant 0 : index
    %get3A_219 = arith.constant 0 : index
    %get3A_220 = vector.load %arg4[%get3A_217, %get3A_218, %get3A_219] : memref<24x256x128xbf16, #tpu.memory_space<vmem>>, vector<1x256x128xbf16>
    %get3A_221 = vector.shape_cast %get3A_220 : vector<1x256x128xbf16> to vector<256x128xbf16>
    %dot_general3A_222 = arith.constant dense<0.000000e+00> : vector<2112x128xf32>
    %dot_general3A_223 = tpu.matmul %concatenate3A_216, %get3A_221, %dot_general3A_222 {dimension_numbers = #tpu.dot_dimension_numbers<[1], [0], [0], [1], [0, 0, 1, 1], [], []>, transpose_lhs_hint = false} : vector<2112x256xbf16>, vector<256x128xbf16>, vector<2112x128xf32> -> vector<2112x128xf32>
    %add3A_224 = arith.addf %add3A_213, %dot_general3A_223 : vector<2112x128xf32>
    %slice3A_225 = vector.extract_strided_slice %convert_element_type3A {offsets = [2638, 0], sizes = [2112, 128], strides = [1, 1]} : vector<6336x128xbf16> to vector<2112x128xbf16>
    %slice3A_226 = vector.extract_strided_slice %convert_element_type3A {offsets = [2639, 0], sizes = [2112, 128], strides = [1, 1]} : vector<6336x128xbf16> to vector<2112x128xbf16>
    %concatenate3A_227 = tpu.concatenate %slice3A_225, %slice3A_226 in 1 : vector<2112x128xbf16>, vector<2112x128xbf16> -> vector<2112x256xbf16>
    %get3A_228 = arith.constant 18 : index
    %get3A_229 = arith.constant 0 : index
    %get3A_230 = arith.constant 0 : index
    %get3A_231 = vector.load %arg4[%get3A_228, %get3A_229, %get3A_230] : memref<24x256x128xbf16, #tpu.memory_space<vmem>>, vector<1x256x128xbf16>
    %get3A_232 = vector.shape_cast %get3A_231 : vector<1x256x128xbf16> to vector<256x128xbf16>
    %dot_general3A_233 = arith.constant dense<0.000000e+00> : vector<2112x128xf32>
    %dot_general3A_234 = tpu.matmul %concatenate3A_227, %get3A_232, %dot_general3A_233 {dimension_numbers = #tpu.dot_dimension_numbers<[1], [0], [0], [1], [0, 0, 1, 1], [], []>, transpose_lhs_hint = false} : vector<2112x256xbf16>, vector<256x128xbf16>, vector<2112x128xf32> -> vector<2112x128xf32>
    %add3A_235 = arith.addf %add3A_224, %dot_general3A_234 : vector<2112x128xf32>
    %slice3A_236 = vector.extract_strided_slice %convert_element_type3A {offsets = [2640, 0], sizes = [2112, 128], strides = [1, 1]} : vector<6336x128xbf16> to vector<2112x128xbf16>
    %slice3A_237 = vector.extract_strided_slice %convert_element_type3A {offsets = [2641, 0], sizes = [2112, 128], strides = [1, 1]} : vector<6336x128xbf16> to vector<2112x128xbf16>
    %concatenate3A_238 = tpu.concatenate %slice3A_236, %slice3A_237 in 1 : vector<2112x128xbf16>, vector<2112x128xbf16> -> vector<2112x256xbf16>
    %get3A_239 = arith.constant 19 : index
    %get3A_240 = arith.constant 0 : index
    %get3A_241 = arith.constant 0 : index
    %get3A_242 = vector.load %arg4[%get3A_239, %get3A_240, %get3A_241] : memref<24x256x128xbf16, #tpu.memory_space<vmem>>, vector<1x256x128xbf16>
    %get3A_243 = vector.shape_cast %get3A_242 : vector<1x256x128xbf16> to vector<256x128xbf16>
    %dot_general3A_244 = arith.constant dense<0.000000e+00> : vector<2112x128xf32>
    %dot_general3A_245 = tpu.matmul %concatenate3A_238, %get3A_243, %dot_general3A_244 {dimension_numbers = #tpu.dot_dimension_numbers<[1], [0], [0], [1], [0, 0, 1, 1], [], []>, transpose_lhs_hint = false} : vector<2112x256xbf16>, vector<256x128xbf16>, vector<2112x128xf32> -> vector<2112x128xf32>
    %add3A_246 = arith.addf %add3A_235, %dot_general3A_245 : vector<2112x128xf32>
    %slice3A_247 = vector.extract_strided_slice %convert_element_type3A {offsets = [2642, 0], sizes = [2112, 128], strides = [1, 1]} : vector<6336x128xbf16> to vector<2112x128xbf16>
    %slice3A_248 = vector.extract_strided_slice %convert_element_type3A {offsets = [2643, 0], sizes = [2112, 128], strides = [1, 1]} : vector<6336x128xbf16> to vector<2112x128xbf16>
    %concatenate3A_249 = tpu.concatenate %slice3A_247, %slice3A_248 in 1 : vector<2112x128xbf16>, vector<2112x128xbf16> -> vector<2112x256xbf16>
    %get3A_250 = arith.constant 20 : index
    %get3A_251 = arith.constant 0 : index
    %get3A_252 = arith.constant 0 : index
    %get3A_253 = vector.load %arg4[%get3A_250, %get3A_251, %get3A_252] : memref<24x256x128xbf16, #tpu.memory_space<vmem>>, vector<1x256x128xbf16>
    %get3A_254 = vector.shape_cast %get3A_253 : vector<1x256x128xbf16> to vector<256x128xbf16>
    %dot_general3A_255 = arith.constant dense<0.000000e+00> : vector<2112x128xf32>
    %dot_general3A_256 = tpu.matmul %concatenate3A_249, %get3A_254, %dot_general3A_255 {dimension_numbers = #tpu.dot_dimension_numbers<[1], [0], [0], [1], [0, 0, 1, 1], [], []>, transpose_lhs_hint = false} : vector<2112x256xbf16>, vector<256x128xbf16>, vector<2112x128xf32> -> vector<2112x128xf32>
    %add3A_257 = arith.addf %add3A_246, %dot_general3A_256 : vector<2112x128xf32>
    %slice3A_258 = vector.extract_strided_slice %convert_element_type3A {offsets = [2901, 0], sizes = [2112, 128], strides = [1, 1]} : vector<6336x128xbf16> to vector<2112x128xbf16>
    %slice3A_259 = vector.extract_strided_slice %convert_element_type3A {offsets = [2902, 0], sizes = [2112, 128], strides = [1, 1]} : vector<6336x128xbf16> to vector<2112x128xbf16>
    %concatenate3A_260 = tpu.concatenate %slice3A_258, %slice3A_259 in 1 : vector<2112x128xbf16>, vector<2112x128xbf16> -> vector<2112x256xbf16>
    %get3A_261 = arith.constant 21 : index
    %get3A_262 = arith.constant 0 : index
    %get3A_263 = arith.constant 0 : index
    %get3A_264 = vector.load %arg4[%get3A_261, %get3A_262, %get3A_263] : memref<24x256x128xbf16, #tpu.memory_space<vmem>>, vector<1x256x128xbf16>
    %get3A_265 = vector.shape_cast %get3A_264 : vector<1x256x128xbf16> to vector<256x128xbf16>
    %dot_general3A_266 = arith.constant dense<0.000000e+00> : vector<2112x128xf32>
    %dot_general3A_267 = tpu.matmul %concatenate3A_260, %get3A_265, %dot_general3A_266 {dimension_numbers = #tpu.dot_dimension_numbers<[1], [0], [0], [1], [0, 0, 1, 1], [], []>, transpose_lhs_hint = false} : vector<2112x256xbf16>, vector<256x128xbf16>, vector<2112x128xf32> -> vector<2112x128xf32>
    %add3A_268 = arith.addf %add3A_257, %dot_general3A_267 : vector<2112x128xf32>
    %slice3A_269 = vector.extract_strided_slice %convert_element_type3A {offsets = [2903, 0], sizes = [2112, 128], strides = [1, 1]} : vector<6336x128xbf16> to vector<2112x128xbf16>
    %slice3A_270 = vector.extract_strided_slice %convert_element_type3A {offsets = [2904, 0], sizes = [2112, 128], strides = [1, 1]} : vector<6336x128xbf16> to vector<2112x128xbf16>
    %concatenate3A_271 = tpu.concatenate %slice3A_269, %slice3A_270 in 1 : vector<2112x128xbf16>, vector<2112x128xbf16> -> vector<2112x256xbf16>
    %get3A_272 = arith.constant 22 : index
    %get3A_273 = arith.constant 0 : index
    %get3A_274 = arith.constant 0 : index
    %get3A_275 = vector.load %arg4[%get3A_272, %get3A_273, %get3A_274] : memref<24x256x128xbf16, #tpu.memory_space<vmem>>, vector<1x256x128xbf16>
    %get3A_276 = vector.shape_cast %get3A_275 : vector<1x256x128xbf16> to vector<256x128xbf16>
    %dot_general3A_277 = arith.constant dense<0.000000e+00> : vector<2112x128xf32>
    %dot_general3A_278 = tpu.matmul %concatenate3A_271, %get3A_276, %dot_general3A_277 {dimension_numbers = #tpu.dot_dimension_numbers<[1], [0], [0], [1], [0, 0, 1, 1], [], []>, transpose_lhs_hint = false} : vector<2112x256xbf16>, vector<256x128xbf16>, vector<2112x128xf32> -> vector<2112x128xf32>
    %add3A_279 = arith.addf %add3A_268, %dot_general3A_278 : vector<2112x128xf32>
    %slice3A_280 = vector.extract_strided_slice %convert_element_type3A {offsets = [2905, 0], sizes = [2112, 128], strides = [1, 1]} : vector<6336x128xbf16> to vector<2112x128xbf16>
    %slice3A_281 = vector.extract_strided_slice %convert_element_type3A {offsets = [2906, 0], sizes = [2112, 128], strides = [1, 1]} : vector<6336x128xbf16> to vector<2112x128xbf16>
    %concatenate3A_282 = tpu.concatenate %slice3A_280, %slice3A_281 in 1 : vector<2112x128xbf16>, vector<2112x128xbf16> -> vector<2112x256xbf16>
    %get3A_283 = arith.constant 23 : index
    %get3A_284 = arith.constant 0 : index
    %get3A_285 = arith.constant 0 : index
    %get3A_286 = vector.load %arg4[%get3A_283, %get3A_284, %get3A_285] : memref<24x256x128xbf16, #tpu.memory_space<vmem>>, vector<1x256x128xbf16>
    %get3A_287 = vector.shape_cast %get3A_286 : vector<1x256x128xbf16> to vector<256x128xbf16>
    %dot_general3A_288 = arith.constant dense<0.000000e+00> : vector<2112x128xf32>
    %dot_general3A_289 = tpu.matmul %concatenate3A_282, %get3A_287, %dot_general3A_288 {dimension_numbers = #tpu.dot_dimension_numbers<[1], [0], [0], [1], [0, 0, 1, 1], [], []>, transpose_lhs_hint = false} : vector<2112x256xbf16>, vector<256x128xbf16>, vector<2112x128xf32> -> vector<2112x128xf32>
    %add3A_290 = arith.addf %add3A_279, %dot_general3A_289 : vector<2112x128xf32>
    %slice3A_291 = vector.extract_strided_slice %convert_element_type3A {offsets = [2907, 0], sizes = [2112, 128], strides = [1, 1]} : vector<6336x128xbf16> to vector<2112x128xbf16>
    %get3A_292 = arith.constant 0 : index
    %get3A_293 = arith.constant 0 : index
    %get3A_294 = arith.constant 0 : index
    %get3A_295 = vector.load %arg5[%get3A_292, %get3A_293, %get3A_294] : memref<1x128x128xbf16, #tpu.memory_space<vmem>>, vector<1x128x128xbf16>
    %get3A_296 = vector.shape_cast %get3A_295 : vector<1x128x128xbf16> to vector<128x128xbf16>
    %dot_general3A_297 = arith.constant dense<0.000000e+00> : vector<2112x128xf32>
    %dot_general3A_298 = tpu.matmul %slice3A_291, %get3A_296, %dot_general3A_297 {dimension_numbers = #tpu.dot_dimension_numbers<[1], [0], [0], [1], [0, 0, 1, 1], [], []>, transpose_lhs_hint = false} : vector<2112x128xbf16>, vector<128x128xbf16>, vector<2112x128xf32> -> vector<2112x128xf32>
    %add3A_299 = arith.addf %add3A_290, %dot_general3A_298 : vector<2112x128xf32>
    %swap3A = arith.constant 0 : index
    %swap3A_300 = arith.constant 0 : index
    %swap3A_301 = vector.load %arg6[%swap3A, %swap3A_300] : memref<2112x128xf32, #tpu.memory_space<vmem>>, vector<2112x128xf32>
    tpu.vector_store %arg6[%swap3A, %swap3A_300], %add3A_299 {strides = array<i32>} : memref<2112x128xf32, #tpu.memory_space<vmem>>, vector<2112x128xf32>,
    %jit3A_302 = arith.constant 0.000000e+00 : f32
    %broadcast_in_dim3A_303 = vector.shape_cast %and3A_19 : vector<2112x1xi1> to vector<2112x1xi1>
    %broadcast_in_dim3A_304 = vector.broadcast %broadcast_in_dim3A_303 : vector<2112x1xi1> to vector<2112x128xi1>
    %broadcast_in_dim3A_305 = vector.broadcast %jit3A_302 : f32 to vector<2112x128xf32>
    %select_n3A_306 = arith.select %broadcast_in_dim3A_304, %add3A_299, %broadcast_in_dim3A_305 : vector<2112x128xi1>, vector<2112x128xf32>
    %reduce_sum3A = arith.constant dense<0.000000e+00> : vector<128xf32>
    %reduce_sum3A_307 = vector.multi_reduction <add>, %select_n3A_306, %reduce_sum3A [0] : vector<2112x128xf32> to vector<128xf32>
    %swap3A_308 = arith.constant 0 : index
    %swap3A_309 = arith.constant 0 : index
    %swap3A_310 = arith.constant 0 : index
    %swap3A_311 = vector.load %arg7[%swap3A_308, %swap3A_309, %swap3A_310] : memref<1x8x128xf32, #tpu.memory_space<vmem>>, vector<1x1x128xf32>
    %swap3A_312 = vector.shape_cast %swap3A_311 : vector<1x1x128xf32> to vector<128xf32>
    %swap3A_313 = vector.shape_cast %reduce_sum3A_307 : vector<128xf32> to vector<1x1x128xf32>
    tpu.vector_store %arg7[%swap3A_308, %swap3A_309, %swap3A_310], %swap3A_313 {strides = array<i32>} : memref<1x8x128xf32, #tpu.memory_space<vmem>>, vector<1x1x128xf32>,
    %mul3A = arith.mulf %select_n3A_306, %select_n3A_306 : vector<2112x128xf32>
    %reduce_sum3A_314 = arith.constant dense<0.000000e+00> : vector<128xf32>
    %reduce_sum3A_315 = vector.multi_reduction <add>, %mul3A, %reduce_sum3A_314 [0] : vector<2112x128xf32> to vector<128xf32>
    %swap3A_316 = arith.constant 0 : index
    %swap3A_317 = arith.constant 1 : index
    %swap3A_318 = arith.constant 0 : index
    %swap3A_319 = vector.load %arg7[%swap3A_316, %swap3A_317, %swap3A_318] : memref<1x8x128xf32, #tpu.memory_space<vmem>>, vector<1x1x128xf32>
    %swap3A_320 = vector.shape_cast %swap3A_319 : vector<1x1x128xf32> to vector<128xf32>
    %swap3A_321 = vector.shape_cast %reduce_sum3A_315 : vector<128xf32> to vector<1x1x128xf32>
    tpu.vector_store %arg7[%swap3A_316, %swap3A_317, %swap3A_318], %swap3A_321 {strides = array<i32>} : memref<1x8x128xf32, #tpu.memory_space<vmem>>, vector<1x1x128xf32>,
    return
  }
  func.func @transform_0(%arg0: i32) -> (i32, i32) {
    %c0_i32 = arith.constant 0 : i32
    %c0_i32_0 = arith.constant 0 : i32
    return %arg0, %c0_i32 : i32, i32
  }
  func.func @transform_1(%arg0: i32) -> (i32, i32) {
    %add3A = arith.constant 1 : i32
    %add3A_0 = arith.addi %arg0, %add3A : i32
    %c0_i32 = arith.constant 0 : i32
    %c0_i32_1 = arith.constant 0 : i32
    return %add3A_0, %c0_i32 : i32, i32
  }
  func.func @transform_2(%arg0: i32) -> (i32, i32) {
    %add3A = arith.constant 2 : i32
    %add3A_0 = arith.addi %arg0, %add3A : i32
    %c0_i32 = arith.constant 0 : i32
    %c0_i32_1 = arith.constant 0 : i32
    return %add3A_0, %c0_i32 : i32, i32
  }
  func.func @transform_3(%arg0: i32) -> (i32, i32, i32) {
    %c0_i32 = arith.constant 0 : i32
    %c0_i32_0 = arith.constant 0 : i32
    %c0_i32_1 = arith.constant 0 : i32
    %c0_i32_2 = arith.constant 0 : i32
    return %c0_i32, %c0_i32_0, %c0_i32_1 : i32, i32, i32
  }
  func.func @transform_4(%arg0: i32) -> (i32, i32, i32) {
    %c0_i32 = arith.constant 0 : i32
    %c0_i32_0 = arith.constant 0 : i32
    %c0_i32_1 = arith.constant 0 : i32
    %c0_i32_2 = arith.constant 0 : i32
    return %c0_i32, %c0_i32_0, %c0_i32_1 : i32, i32, i32
  }
  func.func @transform_5(%arg0: i32) -> (i32, i32) {
    %add3A = arith.constant 1 : i32
    %add3A_0 = arith.addi %arg0, %add3A : i32
    %c0_i32 = arith.constant 0 : i32
    %c0_i32_1 = arith.constant 0 : i32
    return %add3A_0, %c0_i32 : i32, i32
  }
  func.func @transform_6(%arg0: i32) -> (i32, i32, i32) {
    %c0_i32 = arith.constant 0 : i32
    %c0_i32_0 = arith.constant 0 : i32
    %c0_i32_1 = arith.constant 0 : i32
    return %arg0, %c0_i32, %c0_i32_0 : i32, i32, i32
  }
}

module attributes {stable_mosaic.version = 14 : i64} {
  func.func @_conv_body(%arg0: i32, %arg1: memref<2112x128xf32, #tpu.memory_space<vmem>>, %arg2: memref<2112x128xf32, #tpu.memory_space<vmem>>, %arg3: memref<2112x128xf32, #tpu.memory_space<vmem>>, %arg4: memref<32x8x128xf32, #tpu.memory_space<vmem>>, %arg5: memref<1x128xf32, #tpu.memory_space<vmem>>, %arg6: memref<1x128xf32, #tpu.memory_space<vmem>>, %arg7: memref<4x256x64xbf16, #tpu.memory_space<vmem>>, %arg8: memref<1x128x64xbf16, #tpu.memory_space<vmem>>, %arg9: memref<2112x64xf32, #tpu.memory_space<vmem>>, %arg10: memref<1x8x64xf32, #tpu.memory_space<vmem>>) attributes {dimension_semantics = [#tpu.dimension_semantics<arbitrary>], iteration_bounds = array<i64: 32>, scalar_prefetch = 0 : i64, scratch_operands = 0 : i64, tpu.core_type = #tpu.core_type<tc>, window_params = [{transform_indices = @transform_0, window_bounds = array<i64: 2112, 128>}, {transform_indices = @transform_1, window_bounds = array<i64: 2112, 128>}, {transform_indices = @transform_2, window_bounds = array<i64: 2112, 128>}, {pipeline_mode = #tpu.pipeline_mode<synchronous>, transform_indices = @transform_3, window_bounds = array<i64: 32, 8, 128>}, {pipeline_mode = #tpu.pipeline_mode<synchronous>, transform_indices = @transform_4, window_bounds = array<i64: 1, 128>}, {pipeline_mode = #tpu.pipeline_mode<synchronous>, transform_indices = @transform_5, window_bounds = array<i64: 1, 128>}, {pipeline_mode = #tpu.pipeline_mode<synchronous>, transform_indices = @transform_6, window_bounds = array<i64: 4, 256, 64>}, {pipeline_mode = #tpu.pipeline_mode<synchronous>, transform_indices = @transform_7, window_bounds = array<i64: 1, 128, 64>}, {transform_indices = @transform_8, window_bounds = array<i64: 2112, 64>}, {transform_indices = @transform_9, window_bounds = array<i64: 1, 8, 64>}]} {
    %iota3A = tpu.iota {dimensions = array<i32: 0>} : vector<2112x1xi32>
    %jit3A = arith.constant 264 : i32
    %eq3A = arith.constant 0 : i32
    %eq3A_0 = arith.cmpi eq, %jit3A, %eq3A : i32
    %jit3A_1 = arith.constant 1 : i32
    %select_n3A = arith.select %eq3A_0, %jit3A_1, %jit3A : i32
    %rem3A = vector.broadcast %select_n3A : i32 to vector<2112x1xi32>
    %rem3A_2 = arith.remsi %iota3A, %rem3A : vector<2112x1xi32>
    %ne3A = arith.constant 0 : i32
    %ne3A_3 = vector.broadcast %ne3A : i32 to vector<2112x1xi32>
    %ne3A_4 = arith.cmpi ne, %rem3A_2, %ne3A_3 : vector<2112x1xi32>
    %lt3A = arith.constant 0 : i32
    %lt3A_5 = vector.broadcast %lt3A : i32 to vector<2112x1xi32>
    %lt3A_6 = arith.cmpi slt, %rem3A_2, %lt3A_5 : vector<2112x1xi32>
    %lt3A_7 = arith.constant 0 : i32
    %lt3A_8 = arith.cmpi slt, %select_n3A, %lt3A_7 : i32
    %ne3A_9 = vector.broadcast %lt3A_8 : i1 to vector<2112x1xi1>
    %ne3A_10 = vector.broadcast %ne3A_9 : vector<2112x1xi1> to vector<2112x1xi1>
    %ne3A_11 = arith.xori %lt3A_6, %ne3A_10 : vector<2112x1xi1>
    %and3A = arith.andi %ne3A_11, %ne3A_4 : vector<2112x1xi1>
    %add3A = vector.broadcast %select_n3A : i32 to vector<2112x1xi32>
    %add3A_12 = arith.addi %rem3A_2, %add3A : vector<2112x1xi32>
    %select_n3A_13 = arith.select %and3A, %add3A_12, %rem3A_2 : vector<2112x1xi1>, vector<2112x1xi32>
    %ge3A = arith.constant 4 : i32
    %ge3A_14 = vector.broadcast %ge3A : i32 to vector<2112x1xi32>
    %ge3A_15 = arith.cmpi sge, %select_n3A_13, %ge3A_14 : vector<2112x1xi32>
    %lt3A_16 = arith.constant 260 : i32
    %lt3A_17 = vector.broadcast %lt3A_16 : i32 to vector<2112x1xi32>
    %lt3A_18 = arith.cmpi slt, %select_n3A_13, %lt3A_17 : vector<2112x1xi32>
    %and3A_19 = arith.andi %ge3A_15, %lt3A_18 : vector<2112x1xi1>
    %get3A = arith.constant 0 : index
    %get3A_20 = arith.constant 0 : index
    %get3A_21 = arith.constant 0 : index
    %get3A_22 = vector.load %arg4[%get3A, %get3A_20, %get3A_21] : memref<32x8x128xf32, #tpu.memory_space<vmem>>, vector<32x8x128xf32>
    %slice3A = vector.extract_strided_slice %get3A_22 {offsets = [0, 0, 0], sizes = [32, 1, 128], strides = [1, 1, 1]} : vector<32x8x128xf32> to vector<32x1x128xf32>
    %squeeze3A = vector.shape_cast %slice3A : vector<32x1x128xf32> to vector<32x128xf32>
    %reduce_sum3A = arith.constant dense<0.000000e+00> : vector<128xf32>
    %reduce_sum3A_23 = vector.multi_reduction <add>, %squeeze3A, %reduce_sum3A [0] : vector<32x128xf32> to vector<128xf32>
    %mul3A = arith.constant 1.52587891E-5 : f32
    %mul3A_24 = vector.broadcast %mul3A : f32 to vector<128xf32>
    %mul3A_25 = arith.mulf %reduce_sum3A_23, %mul3A_24 : vector<128xf32>
    %slice3A_26 = vector.extract_strided_slice %get3A_22 {offsets = [0, 1, 0], sizes = [32, 1, 128], strides = [1, 1, 1]} : vector<32x8x128xf32> to vector<32x1x128xf32>
    %squeeze3A_27 = vector.shape_cast %slice3A_26 : vector<32x1x128xf32> to vector<32x128xf32>
    %reduce_sum3A_28 = arith.constant dense<0.000000e+00> : vector<128xf32>
    %reduce_sum3A_29 = vector.multi_reduction <add>, %squeeze3A_27, %reduce_sum3A_28 [0] : vector<32x128xf32> to vector<128xf32>
    %mul3A_30 = arith.constant 1.52587891E-5 : f32
    %mul3A_31 = vector.broadcast %mul3A_30 : f32 to vector<128xf32>
    %mul3A_32 = arith.mulf %reduce_sum3A_29, %mul3A_31 : vector<128xf32>
    %mul3A_33 = arith.mulf %mul3A_25, %mul3A_25 : vector<128xf32>
    %sub3A = arith.subf %mul3A_32, %mul3A_33 : vector<128xf32>
    %get3A_34 = arith.constant 0 : index
    %get3A_35 = arith.constant 0 : index
    %get3A_36 = vector.load %arg5[%get3A_34, %get3A_35] : memref<1x128xf32, #tpu.memory_space<vmem>>, vector<1x128xf32>
    %add3A_37 = arith.constant 9.99999974E-6 : f32
    %add3A_38 = vector.broadcast %add3A_37 : f32 to vector<128xf32>
    %add3A_39 = arith.addf %sub3A, %add3A_38 : vector<128xf32>
    %rsqrt3A = math.rsqrt %add3A_39 : vector<128xf32>
    %reshape3A = vector.shape_cast %rsqrt3A : vector<128xf32> to vector<1x128xf32>
    %mul3A_40 = arith.mulf %get3A_36, %reshape3A : vector<1x128xf32>
    %get3A_41 = arith.constant 0 : index
    %get3A_42 = arith.constant 0 : index
    %get3A_43 = vector.load %arg6[%get3A_41, %get3A_42] : memref<1x128xf32, #tpu.memory_space<vmem>>, vector<1x128xf32>
    %reshape3A_44 = vector.shape_cast %mul3A_25 : vector<128xf32> to vector<1x128xf32>
    %mul3A_45 = arith.mulf %reshape3A_44, %mul3A_40 : vector<1x128xf32>
    %sub3A_46 = arith.subf %get3A_43, %mul3A_45 : vector<1x128xf32>
    %get3A_47 = arith.constant 0 : index
    %get3A_48 = arith.constant 0 : index
    %get3A_49 = vector.load %arg1[%get3A_47, %get3A_48] : memref<2112x128xf32, #tpu.memory_space<vmem>>, vector<2112x128xf32>
    %gt3A = arith.constant 0 : i32
    %gt3A_50 = arith.cmpi sgt, %arg0, %gt3A : i32
    %mul3A_51 = vector.broadcast %mul3A_40 : vector<1x128xf32> to vector<2112x128xf32>
    %mul3A_52 = arith.mulf %get3A_49, %mul3A_51 : vector<2112x128xf32>
    %add3A_53 = vector.broadcast %sub3A_46 : vector<1x128xf32> to vector<2112x128xf32>
    %add3A_54 = arith.addf %mul3A_52, %add3A_53 : vector<2112x128xf32>
    %max3A = arith.constant 0.000000e+00 : f32
    %max3A_55 = vector.broadcast %max3A : f32 to vector<2112x128xf32>
    %max3A_56 = arith.maximumf %add3A_54, %max3A_55 : vector<2112x128xf32>
    %jit3A_57 = arith.constant 0.000000e+00 : f32
    %broadcast_in_dim3A = vector.shape_cast %and3A_19 : vector<2112x1xi1> to vector<2112x1xi1>
    %broadcast_in_dim3A_58 = vector.broadcast %broadcast_in_dim3A : vector<2112x1xi1> to vector<2112x128xi1>
    %broadcast_in_dim3A_59 = vector.broadcast %jit3A_57 : f32 to vector<2112x128xf32>
    %select_n3A_60 = arith.select %broadcast_in_dim3A_58, %max3A_56, %broadcast_in_dim3A_59 : vector<2112x128xi1>, vector<2112x128xf32>
    %jit3A_61 = arith.constant 0.000000e+00 : f32
    %broadcast_in_dim3A_62 = vector.broadcast %jit3A_61 : f32 to vector<2112x128xf32>
    %select_n3A_63 = arith.select %gt3A_50, %select_n3A_60, %broadcast_in_dim3A_62 : vector<2112x128xf32>
    %convert_element_type3A = arith.truncf %select_n3A_63 : vector<2112x128xf32> to vector<2112x128xbf16>
    %get3A_64 = arith.constant 0 : index
    %get3A_65 = arith.constant 0 : index
    %get3A_66 = vector.load %arg2[%get3A_64, %get3A_65] : memref<2112x128xf32, #tpu.memory_space<vmem>>, vector<2112x128xf32>
    %ge3A_67 = arith.constant 0 : i32
    %ge3A_68 = arith.cmpi sge, %arg0, %ge3A_67 : i32
    %mul3A_69 = vector.broadcast %mul3A_40 : vector<1x128xf32> to vector<2112x128xf32>
    %mul3A_70 = arith.mulf %get3A_66, %mul3A_69 : vector<2112x128xf32>
    %add3A_71 = vector.broadcast %sub3A_46 : vector<1x128xf32> to vector<2112x128xf32>
    %add3A_72 = arith.addf %mul3A_70, %add3A_71 : vector<2112x128xf32>
    %max3A_73 = arith.constant 0.000000e+00 : f32
    %max3A_74 = vector.broadcast %max3A_73 : f32 to vector<2112x128xf32>
    %max3A_75 = arith.maximumf %add3A_72, %max3A_74 : vector<2112x128xf32>
    %jit3A_76 = arith.constant 0.000000e+00 : f32
    %broadcast_in_dim3A_77 = vector.shape_cast %and3A_19 : vector<2112x1xi1> to vector<2112x1xi1>
    %broadcast_in_dim3A_78 = vector.broadcast %broadcast_in_dim3A_77 : vector<2112x1xi1> to vector<2112x128xi1>
    %broadcast_in_dim3A_79 = vector.broadcast %jit3A_76 : f32 to vector<2112x128xf32>
    %select_n3A_80 = arith.select %broadcast_in_dim3A_78, %max3A_75, %broadcast_in_dim3A_79 : vector<2112x128xi1>, vector<2112x128xf32>
    %jit3A_81 = arith.constant 0.000000e+00 : f32
    %broadcast_in_dim3A_82 = vector.broadcast %jit3A_81 : f32 to vector<2112x128xf32>
    %select_n3A_83 = arith.select %ge3A_68, %select_n3A_80, %broadcast_in_dim3A_82 : vector<2112x128xf32>
    %convert_element_type3A_84 = arith.truncf %select_n3A_83 : vector<2112x128xf32> to vector<2112x128xbf16>
    %get3A_85 = arith.constant 0 : index
    %get3A_86 = arith.constant 0 : index
    %get3A_87 = vector.load %arg3[%get3A_85, %get3A_86] : memref<2112x128xf32, #tpu.memory_space<vmem>>, vector<2112x128xf32>
    %lt3A_88 = arith.constant 31 : i32
    %lt3A_89 = arith.cmpi slt, %arg0, %lt3A_88 : i32
    %mul3A_90 = vector.broadcast %mul3A_40 : vector<1x128xf32> to vector<2112x128xf32>
    %mul3A_91 = arith.mulf %get3A_87, %mul3A_90 : vector<2112x128xf32>
    %add3A_92 = vector.broadcast %sub3A_46 : vector<1x128xf32> to vector<2112x128xf32>
    %add3A_93 = arith.addf %mul3A_91, %add3A_92 : vector<2112x128xf32>
    %max3A_94 = arith.constant 0.000000e+00 : f32
    %max3A_95 = vector.broadcast %max3A_94 : f32 to vector<2112x128xf32>
    %max3A_96 = arith.maximumf %add3A_93, %max3A_95 : vector<2112x128xf32>
    %jit3A_97 = arith.constant 0.000000e+00 : f32
    %broadcast_in_dim3A_98 = vector.shape_cast %and3A_19 : vector<2112x1xi1> to vector<2112x1xi1>
    %broadcast_in_dim3A_99 = vector.broadcast %broadcast_in_dim3A_98 : vector<2112x1xi1> to vector<2112x128xi1>
    %broadcast_in_dim3A_100 = vector.broadcast %jit3A_97 : f32 to vector<2112x128xf32>
    %select_n3A_101 = arith.select %broadcast_in_dim3A_99, %max3A_96, %broadcast_in_dim3A_100 : vector<2112x128xi1>, vector<2112x128xf32>
    %jit3A_102 = arith.constant 0.000000e+00 : f32
    %broadcast_in_dim3A_103 = vector.broadcast %jit3A_102 : f32 to vector<2112x128xf32>
    %select_n3A_104 = arith.select %lt3A_89, %select_n3A_101, %broadcast_in_dim3A_103 : vector<2112x128xf32>
    %convert_element_type3A_105 = arith.truncf %select_n3A_104 : vector<2112x128xf32> to vector<2112x128xbf16>
    %concatenate3A = tpu.concatenate %convert_element_type3A, %convert_element_type3A_84, %convert_element_type3A_105 in 0 : vector<2112x128xbf16>, vector<2112x128xbf16>, vector<2112x128xbf16> -> vector<6336x128xbf16>
    %broadcast_in_dim3A_106 = arith.constant 0.000000e+00 : f32
    %broadcast_in_dim3A_107 = vector.broadcast %broadcast_in_dim3A_106 : f32 to vector<2112x64xf32>
    %slice3A_108 = vector.extract_strided_slice %concatenate3A {offsets = [1847, 0], sizes = [2112, 128], strides = [1, 1]} : vector<6336x128xbf16> to vector<2112x128xbf16>
    %slice3A_109 = vector.extract_strided_slice %concatenate3A {offsets = [1848, 0], sizes = [2112, 128], strides = [1, 1]} : vector<6336x128xbf16> to vector<2112x128xbf16>
    %concatenate3A_110 = tpu.concatenate %slice3A_108, %slice3A_109 in 1 : vector<2112x128xbf16>, vector<2112x128xbf16> -> vector<2112x256xbf16>
    %get3A_111 = arith.constant 0 : index
    %get3A_112 = arith.constant 0 : index
    %get3A_113 = arith.constant 0 : index
    %get3A_114 = vector.load %arg7[%get3A_111, %get3A_112, %get3A_113] : memref<4x256x64xbf16, #tpu.memory_space<vmem>>, vector<1x256x64xbf16>
    %get3A_115 = vector.shape_cast %get3A_114 : vector<1x256x64xbf16> to vector<256x64xbf16>
    %dot_general3A = arith.constant dense<0.000000e+00> : vector<2112x64xf32>
    %dot_general3A_116 = tpu.matmul %concatenate3A_110, %get3A_115, %dot_general3A {dimension_numbers = #tpu.dot_dimension_numbers<[1], [0], [0], [1], [0, 0, 1, 1], [], []>, transpose_lhs_hint = false} : vector<2112x256xbf16>, vector<256x64xbf16>, vector<2112x64xf32> -> vector<2112x64xf32>
    %add3A_117 = arith.addf %broadcast_in_dim3A_107, %dot_general3A_116 : vector<2112x64xf32>
    %slice3A_118 = vector.extract_strided_slice %concatenate3A {offsets = [1849, 0], sizes = [2112, 128], strides = [1, 1]} : vector<6336x128xbf16> to vector<2112x128xbf16>
    %slice3A_119 = vector.extract_strided_slice %concatenate3A {offsets = [2111, 0], sizes = [2112, 128], strides = [1, 1]} : vector<6336x128xbf16> to vector<2112x128xbf16>
    %concatenate3A_120 = tpu.concatenate %slice3A_118, %slice3A_119 in 1 : vector<2112x128xbf16>, vector<2112x128xbf16> -> vector<2112x256xbf16>
    %get3A_121 = arith.constant 1 : index
    %get3A_122 = arith.constant 0 : index
    %get3A_123 = arith.constant 0 : index
    %get3A_124 = vector.load %arg7[%get3A_121, %get3A_122, %get3A_123] : memref<4x256x64xbf16, #tpu.memory_space<vmem>>, vector<1x256x64xbf16>
    %get3A_125 = vector.shape_cast %get3A_124 : vector<1x256x64xbf16> to vector<256x64xbf16>
    %dot_general3A_126 = arith.constant dense<0.000000e+00> : vector<2112x64xf32>
    %dot_general3A_127 = tpu.matmul %concatenate3A_120, %get3A_125, %dot_general3A_126 {dimension_numbers = #tpu.dot_dimension_numbers<[1], [0], [0], [1], [0, 0, 1, 1], [], []>, transpose_lhs_hint = false} : vector<2112x256xbf16>, vector<256x64xbf16>, vector<2112x64xf32> -> vector<2112x64xf32>
    %add3A_128 = arith.addf %add3A_117, %dot_general3A_127 : vector<2112x64xf32>
    %slice3A_129 = vector.extract_strided_slice %concatenate3A {offsets = [2112, 0], sizes = [2112, 128], strides = [1, 1]} : vector<6336x128xbf16> to vector<2112x128xbf16>
    %slice3A_130 = vector.extract_strided_slice %concatenate3A {offsets = [2113, 0], sizes = [2112, 128], strides = [1, 1]} : vector<6336x128xbf16> to vector<2112x128xbf16>
    %concatenate3A_131 = tpu.concatenate %slice3A_129, %slice3A_130 in 1 : vector<2112x128xbf16>, vector<2112x128xbf16> -> vector<2112x256xbf16>
    %get3A_132 = arith.constant 2 : index
    %get3A_133 = arith.constant 0 : index
    %get3A_134 = arith.constant 0 : index
    %get3A_135 = vector.load %arg7[%get3A_132, %get3A_133, %get3A_134] : memref<4x256x64xbf16, #tpu.memory_space<vmem>>, vector<1x256x64xbf16>
    %get3A_136 = vector.shape_cast %get3A_135 : vector<1x256x64xbf16> to vector<256x64xbf16>
    %dot_general3A_137 = arith.constant dense<0.000000e+00> : vector<2112x64xf32>
    %dot_general3A_138 = tpu.matmul %concatenate3A_131, %get3A_136, %dot_general3A_137 {dimension_numbers = #tpu.dot_dimension_numbers<[1], [0], [0], [1], [0, 0, 1, 1], [], []>, transpose_lhs_hint = false} : vector<2112x256xbf16>, vector<256x64xbf16>, vector<2112x64xf32> -> vector<2112x64xf32>
    %add3A_139 = arith.addf %add3A_128, %dot_general3A_138 : vector<2112x64xf32>
    %slice3A_140 = vector.extract_strided_slice %concatenate3A {offsets = [2375, 0], sizes = [2112, 128], strides = [1, 1]} : vector<6336x128xbf16> to vector<2112x128xbf16>
    %slice3A_141 = vector.extract_strided_slice %concatenate3A {offsets = [2376, 0], sizes = [2112, 128], strides = [1, 1]} : vector<6336x128xbf16> to vector<2112x128xbf16>
    %concatenate3A_142 = tpu.concatenate %slice3A_140, %slice3A_141 in 1 : vector<2112x128xbf16>, vector<2112x128xbf16> -> vector<2112x256xbf16>
    %get3A_143 = arith.constant 3 : index
    %get3A_144 = arith.constant 0 : index
    %get3A_145 = arith.constant 0 : index
    %get3A_146 = vector.load %arg7[%get3A_143, %get3A_144, %get3A_145] : memref<4x256x64xbf16, #tpu.memory_space<vmem>>, vector<1x256x64xbf16>
    %get3A_147 = vector.shape_cast %get3A_146 : vector<1x256x64xbf16> to vector<256x64xbf16>
    %dot_general3A_148 = arith.constant dense<0.000000e+00> : vector<2112x64xf32>
    %dot_general3A_149 = tpu.matmul %concatenate3A_142, %get3A_147, %dot_general3A_148 {dimension_numbers = #tpu.dot_dimension_numbers<[1], [0], [0], [1], [0, 0, 1, 1], [], []>, transpose_lhs_hint = false} : vector<2112x256xbf16>, vector<256x64xbf16>, vector<2112x64xf32> -> vector<2112x64xf32>
    %add3A_150 = arith.addf %add3A_139, %dot_general3A_149 : vector<2112x64xf32>
    %slice3A_151 = vector.extract_strided_slice %concatenate3A {offsets = [2377, 0], sizes = [2112, 128], strides = [1, 1]} : vector<6336x128xbf16> to vector<2112x128xbf16>
    %get3A_152 = arith.constant 0 : index
    %get3A_153 = arith.constant 0 : index
    %get3A_154 = arith.constant 0 : index
    %get3A_155 = vector.load %arg8[%get3A_152, %get3A_153, %get3A_154] : memref<1x128x64xbf16, #tpu.memory_space<vmem>>, vector<1x128x64xbf16>
    %get3A_156 = vector.shape_cast %get3A_155 : vector<1x128x64xbf16> to vector<128x64xbf16>
    %dot_general3A_157 = arith.constant dense<0.000000e+00> : vector<2112x64xf32>
    %dot_general3A_158 = tpu.matmul %slice3A_151, %get3A_156, %dot_general3A_157 {dimension_numbers = #tpu.dot_dimension_numbers<[1], [0], [0], [1], [0, 0, 1, 1], [], []>, transpose_lhs_hint = false} : vector<2112x128xbf16>, vector<128x64xbf16>, vector<2112x64xf32> -> vector<2112x64xf32>
    %add3A_159 = arith.addf %add3A_150, %dot_general3A_158 : vector<2112x64xf32>
    %swap3A = arith.constant 0 : index
    %swap3A_160 = arith.constant 0 : index
    %swap3A_161 = vector.load %arg9[%swap3A, %swap3A_160] : memref<2112x64xf32, #tpu.memory_space<vmem>>, vector<2112x64xf32>
    tpu.vector_store %arg9[%swap3A, %swap3A_160], %add3A_159 {strides = array<i32>} : memref<2112x64xf32, #tpu.memory_space<vmem>>, vector<2112x64xf32>,
    %jit3A_162 = arith.constant 0.000000e+00 : f32
    %broadcast_in_dim3A_163 = vector.shape_cast %and3A_19 : vector<2112x1xi1> to vector<2112x1xi1>
    %broadcast_in_dim3A_164 = vector.broadcast %broadcast_in_dim3A_163 : vector<2112x1xi1> to vector<2112x64xi1>
    %broadcast_in_dim3A_165 = vector.broadcast %jit3A_162 : f32 to vector<2112x64xf32>
    %select_n3A_166 = arith.select %broadcast_in_dim3A_164, %add3A_159, %broadcast_in_dim3A_165 : vector<2112x64xi1>, vector<2112x64xf32>
    %reduce_sum3A_167 = arith.constant dense<0.000000e+00> : vector<64xf32>
    %reduce_sum3A_168 = vector.multi_reduction <add>, %select_n3A_166, %reduce_sum3A_167 [0] : vector<2112x64xf32> to vector<64xf32>
    %swap3A_169 = arith.constant 0 : index
    %swap3A_170 = arith.constant 0 : index
    %swap3A_171 = arith.constant 0 : index
    %swap3A_172 = vector.load %arg10[%swap3A_169, %swap3A_170, %swap3A_171] : memref<1x8x64xf32, #tpu.memory_space<vmem>>, vector<1x1x64xf32>
    %swap3A_173 = vector.shape_cast %swap3A_172 : vector<1x1x64xf32> to vector<64xf32>
    %swap3A_174 = vector.shape_cast %reduce_sum3A_168 : vector<64xf32> to vector<1x1x64xf32>
    tpu.vector_store %arg10[%swap3A_169, %swap3A_170, %swap3A_171], %swap3A_174 {strides = array<i32>} : memref<1x8x64xf32, #tpu.memory_space<vmem>>, vector<1x1x64xf32>,
    %mul3A_175 = arith.mulf %select_n3A_166, %select_n3A_166 : vector<2112x64xf32>
    %reduce_sum3A_176 = arith.constant dense<0.000000e+00> : vector<64xf32>
    %reduce_sum3A_177 = vector.multi_reduction <add>, %mul3A_175, %reduce_sum3A_176 [0] : vector<2112x64xf32> to vector<64xf32>
    %swap3A_178 = arith.constant 0 : index
    %swap3A_179 = arith.constant 1 : index
    %swap3A_180 = arith.constant 0 : index
    %swap3A_181 = vector.load %arg10[%swap3A_178, %swap3A_179, %swap3A_180] : memref<1x8x64xf32, #tpu.memory_space<vmem>>, vector<1x1x64xf32>
    %swap3A_182 = vector.shape_cast %swap3A_181 : vector<1x1x64xf32> to vector<64xf32>
    %swap3A_183 = vector.shape_cast %reduce_sum3A_177 : vector<64xf32> to vector<1x1x64xf32>
    tpu.vector_store %arg10[%swap3A_178, %swap3A_179, %swap3A_180], %swap3A_183 {strides = array<i32>} : memref<1x8x64xf32, #tpu.memory_space<vmem>>, vector<1x1x64xf32>,
    return
  }
  func.func @transform_0(%arg0: i32) -> (i32, i32) {
    %c0_i32 = arith.constant 0 : i32
    %c0_i32_0 = arith.constant 0 : i32
    return %arg0, %c0_i32 : i32, i32
  }
  func.func @transform_1(%arg0: i32) -> (i32, i32) {
    %add3A = arith.constant 1 : i32
    %add3A_0 = arith.addi %arg0, %add3A : i32
    %c0_i32 = arith.constant 0 : i32
    %c0_i32_1 = arith.constant 0 : i32
    return %add3A_0, %c0_i32 : i32, i32
  }
  func.func @transform_2(%arg0: i32) -> (i32, i32) {
    %add3A = arith.constant 2 : i32
    %add3A_0 = arith.addi %arg0, %add3A : i32
    %c0_i32 = arith.constant 0 : i32
    %c0_i32_1 = arith.constant 0 : i32
    return %add3A_0, %c0_i32 : i32, i32
  }
  func.func @transform_3(%arg0: i32) -> (i32, i32, i32) {
    %c0_i32 = arith.constant 0 : i32
    %c0_i32_0 = arith.constant 0 : i32
    %c0_i32_1 = arith.constant 0 : i32
    %c0_i32_2 = arith.constant 0 : i32
    return %c0_i32, %c0_i32_0, %c0_i32_1 : i32, i32, i32
  }
  func.func @transform_4(%arg0: i32) -> (i32, i32) {
    %c0_i32 = arith.constant 0 : i32
    %c0_i32_0 = arith.constant 0 : i32
    %c0_i32_1 = arith.constant 0 : i32
    return %c0_i32, %c0_i32_0 : i32, i32
  }
  func.func @transform_5(%arg0: i32) -> (i32, i32) {
    %c0_i32 = arith.constant 0 : i32
    %c0_i32_0 = arith.constant 0 : i32
    %c0_i32_1 = arith.constant 0 : i32
    return %c0_i32, %c0_i32_0 : i32, i32
  }
  func.func @transform_6(%arg0: i32) -> (i32, i32, i32) {
    %c0_i32 = arith.constant 0 : i32
    %c0_i32_0 = arith.constant 0 : i32
    %c0_i32_1 = arith.constant 0 : i32
    %c0_i32_2 = arith.constant 0 : i32
    return %c0_i32, %c0_i32_0, %c0_i32_1 : i32, i32, i32
  }
  func.func @transform_7(%arg0: i32) -> (i32, i32, i32) {
    %c0_i32 = arith.constant 0 : i32
    %c0_i32_0 = arith.constant 0 : i32
    %c0_i32_1 = arith.constant 0 : i32
    %c0_i32_2 = arith.constant 0 : i32
    return %c0_i32, %c0_i32_0, %c0_i32_1 : i32, i32, i32
  }
  func.func @transform_8(%arg0: i32) -> (i32, i32) {
    %add3A = arith.constant 1 : i32
    %add3A_0 = arith.addi %arg0, %add3A : i32
    %c0_i32 = arith.constant 0 : i32
    %c0_i32_1 = arith.constant 0 : i32
    return %add3A_0, %c0_i32 : i32, i32
  }
  func.func @transform_9(%arg0: i32) -> (i32, i32, i32) {
    %c0_i32 = arith.constant 0 : i32
    %c0_i32_0 = arith.constant 0 : i32
    %c0_i32_1 = arith.constant 0 : i32
    return %arg0, %c0_i32, %c0_i32_0 : i32, i32, i32
  }
}

module attributes {stable_mosaic.version = 14 : i64} {
  func.func @_conv_body(%arg0: i32, %arg1: memref<2112x64xf32, #tpu.memory_space<vmem>>, %arg2: memref<2112x64xf32, #tpu.memory_space<vmem>>, %arg3: memref<2112x64xf32, #tpu.memory_space<vmem>>, %arg4: memref<32x8x64xf32, #tpu.memory_space<vmem>>, %arg5: memref<1x64xf32, #tpu.memory_space<vmem>>, %arg6: memref<1x64xf32, #tpu.memory_space<vmem>>, %arg7: memref<4x128x48xbf16, #tpu.memory_space<vmem>>, %arg8: memref<1x64x48xbf16, #tpu.memory_space<vmem>>, %arg9: memref<2112x48xf32, #tpu.memory_space<vmem>>, %arg10: memref<1x8x48xf32, #tpu.memory_space<vmem>>) attributes {dimension_semantics = [#tpu.dimension_semantics<arbitrary>], iteration_bounds = array<i64: 32>, scalar_prefetch = 0 : i64, scratch_operands = 0 : i64, tpu.core_type = #tpu.core_type<tc>, window_params = [{transform_indices = @transform_0, window_bounds = array<i64: 2112, 64>}, {transform_indices = @transform_1, window_bounds = array<i64: 2112, 64>}, {transform_indices = @transform_2, window_bounds = array<i64: 2112, 64>}, {pipeline_mode = #tpu.pipeline_mode<synchronous>, transform_indices = @transform_3, window_bounds = array<i64: 32, 8, 64>}, {pipeline_mode = #tpu.pipeline_mode<synchronous>, transform_indices = @transform_4, window_bounds = array<i64: 1, 64>}, {pipeline_mode = #tpu.pipeline_mode<synchronous>, transform_indices = @transform_5, window_bounds = array<i64: 1, 64>}, {pipeline_mode = #tpu.pipeline_mode<synchronous>, transform_indices = @transform_6, window_bounds = array<i64: 4, 128, 48>}, {pipeline_mode = #tpu.pipeline_mode<synchronous>, transform_indices = @transform_7, window_bounds = array<i64: 1, 64, 48>}, {transform_indices = @transform_8, window_bounds = array<i64: 2112, 48>}, {transform_indices = @transform_9, window_bounds = array<i64: 1, 8, 48>}]} {
    %iota3A = tpu.iota {dimensions = array<i32: 0>} : vector<2112x1xi32>
    %jit3A = arith.constant 264 : i32
    %eq3A = arith.constant 0 : i32
    %eq3A_0 = arith.cmpi eq, %jit3A, %eq3A : i32
    %jit3A_1 = arith.constant 1 : i32
    %select_n3A = arith.select %eq3A_0, %jit3A_1, %jit3A : i32
    %rem3A = vector.broadcast %select_n3A : i32 to vector<2112x1xi32>
    %rem3A_2 = arith.remsi %iota3A, %rem3A : vector<2112x1xi32>
    %ne3A = arith.constant 0 : i32
    %ne3A_3 = vector.broadcast %ne3A : i32 to vector<2112x1xi32>
    %ne3A_4 = arith.cmpi ne, %rem3A_2, %ne3A_3 : vector<2112x1xi32>
    %lt3A = arith.constant 0 : i32
    %lt3A_5 = vector.broadcast %lt3A : i32 to vector<2112x1xi32>
    %lt3A_6 = arith.cmpi slt, %rem3A_2, %lt3A_5 : vector<2112x1xi32>
    %lt3A_7 = arith.constant 0 : i32
    %lt3A_8 = arith.cmpi slt, %select_n3A, %lt3A_7 : i32
    %ne3A_9 = vector.broadcast %lt3A_8 : i1 to vector<2112x1xi1>
    %ne3A_10 = vector.broadcast %ne3A_9 : vector<2112x1xi1> to vector<2112x1xi1>
    %ne3A_11 = arith.xori %lt3A_6, %ne3A_10 : vector<2112x1xi1>
    %and3A = arith.andi %ne3A_11, %ne3A_4 : vector<2112x1xi1>
    %add3A = vector.broadcast %select_n3A : i32 to vector<2112x1xi32>
    %add3A_12 = arith.addi %rem3A_2, %add3A : vector<2112x1xi32>
    %select_n3A_13 = arith.select %and3A, %add3A_12, %rem3A_2 : vector<2112x1xi1>, vector<2112x1xi32>
    %ge3A = arith.constant 4 : i32
    %ge3A_14 = vector.broadcast %ge3A : i32 to vector<2112x1xi32>
    %ge3A_15 = arith.cmpi sge, %select_n3A_13, %ge3A_14 : vector<2112x1xi32>
    %lt3A_16 = arith.constant 260 : i32
    %lt3A_17 = vector.broadcast %lt3A_16 : i32 to vector<2112x1xi32>
    %lt3A_18 = arith.cmpi slt, %select_n3A_13, %lt3A_17 : vector<2112x1xi32>
    %and3A_19 = arith.andi %ge3A_15, %lt3A_18 : vector<2112x1xi1>
    %get3A = arith.constant 0 : index
    %get3A_20 = arith.constant 0 : index
    %get3A_21 = arith.constant 0 : index
    %get3A_22 = vector.load %arg4[%get3A, %get3A_20, %get3A_21] : memref<32x8x64xf32, #tpu.memory_space<vmem>>, vector<32x8x64xf32>
    %slice3A = vector.extract_strided_slice %get3A_22 {offsets = [0, 0, 0], sizes = [32, 1, 64], strides = [1, 1, 1]} : vector<32x8x64xf32> to vector<32x1x64xf32>
    %squeeze3A = vector.shape_cast %slice3A : vector<32x1x64xf32> to vector<32x64xf32>
    %reduce_sum3A = arith.constant dense<0.000000e+00> : vector<64xf32>
    %reduce_sum3A_23 = vector.multi_reduction <add>, %squeeze3A, %reduce_sum3A [0] : vector<32x64xf32> to vector<64xf32>
    %mul3A = arith.constant 1.52587891E-5 : f32
    %mul3A_24 = vector.broadcast %mul3A : f32 to vector<64xf32>
    %mul3A_25 = arith.mulf %reduce_sum3A_23, %mul3A_24 : vector<64xf32>
    %slice3A_26 = vector.extract_strided_slice %get3A_22 {offsets = [0, 1, 0], sizes = [32, 1, 64], strides = [1, 1, 1]} : vector<32x8x64xf32> to vector<32x1x64xf32>
    %squeeze3A_27 = vector.shape_cast %slice3A_26 : vector<32x1x64xf32> to vector<32x64xf32>
    %reduce_sum3A_28 = arith.constant dense<0.000000e+00> : vector<64xf32>
    %reduce_sum3A_29 = vector.multi_reduction <add>, %squeeze3A_27, %reduce_sum3A_28 [0] : vector<32x64xf32> to vector<64xf32>
    %mul3A_30 = arith.constant 1.52587891E-5 : f32
    %mul3A_31 = vector.broadcast %mul3A_30 : f32 to vector<64xf32>
    %mul3A_32 = arith.mulf %reduce_sum3A_29, %mul3A_31 : vector<64xf32>
    %mul3A_33 = arith.mulf %mul3A_25, %mul3A_25 : vector<64xf32>
    %sub3A = arith.subf %mul3A_32, %mul3A_33 : vector<64xf32>
    %get3A_34 = arith.constant 0 : index
    %get3A_35 = arith.constant 0 : index
    %get3A_36 = vector.load %arg5[%get3A_34, %get3A_35] : memref<1x64xf32, #tpu.memory_space<vmem>>, vector<1x64xf32>
    %add3A_37 = arith.constant 9.99999974E-6 : f32
    %add3A_38 = vector.broadcast %add3A_37 : f32 to vector<64xf32>
    %add3A_39 = arith.addf %sub3A, %add3A_38 : vector<64xf32>
    %rsqrt3A = math.rsqrt %add3A_39 : vector<64xf32>
    %reshape3A = vector.shape_cast %rsqrt3A : vector<64xf32> to vector<1x64xf32>
    %mul3A_40 = arith.mulf %get3A_36, %reshape3A : vector<1x64xf32>
    %get3A_41 = arith.constant 0 : index
    %get3A_42 = arith.constant 0 : index
    %get3A_43 = vector.load %arg6[%get3A_41, %get3A_42] : memref<1x64xf32, #tpu.memory_space<vmem>>, vector<1x64xf32>
    %reshape3A_44 = vector.shape_cast %mul3A_25 : vector<64xf32> to vector<1x64xf32>
    %mul3A_45 = arith.mulf %reshape3A_44, %mul3A_40 : vector<1x64xf32>
    %sub3A_46 = arith.subf %get3A_43, %mul3A_45 : vector<1x64xf32>
    %get3A_47 = arith.constant 0 : index
    %get3A_48 = arith.constant 0 : index
    %get3A_49 = vector.load %arg1[%get3A_47, %get3A_48] : memref<2112x64xf32, #tpu.memory_space<vmem>>, vector<2112x64xf32>
    %gt3A = arith.constant 0 : i32
    %gt3A_50 = arith.cmpi sgt, %arg0, %gt3A : i32
    %mul3A_51 = vector.broadcast %mul3A_40 : vector<1x64xf32> to vector<2112x64xf32>
    %mul3A_52 = arith.mulf %get3A_49, %mul3A_51 : vector<2112x64xf32>
    %add3A_53 = vector.broadcast %sub3A_46 : vector<1x64xf32> to vector<2112x64xf32>
    %add3A_54 = arith.addf %mul3A_52, %add3A_53 : vector<2112x64xf32>
    %max3A = arith.constant 0.000000e+00 : f32
    %max3A_55 = vector.broadcast %max3A : f32 to vector<2112x64xf32>
    %max3A_56 = arith.maximumf %add3A_54, %max3A_55 : vector<2112x64xf32>
    %jit3A_57 = arith.constant 0.000000e+00 : f32
    %broadcast_in_dim3A = vector.shape_cast %and3A_19 : vector<2112x1xi1> to vector<2112x1xi1>
    %broadcast_in_dim3A_58 = vector.broadcast %broadcast_in_dim3A : vector<2112x1xi1> to vector<2112x64xi1>
    %broadcast_in_dim3A_59 = vector.broadcast %jit3A_57 : f32 to vector<2112x64xf32>
    %select_n3A_60 = arith.select %broadcast_in_dim3A_58, %max3A_56, %broadcast_in_dim3A_59 : vector<2112x64xi1>, vector<2112x64xf32>
    %jit3A_61 = arith.constant 0.000000e+00 : f32
    %broadcast_in_dim3A_62 = vector.broadcast %jit3A_61 : f32 to vector<2112x64xf32>
    %select_n3A_63 = arith.select %gt3A_50, %select_n3A_60, %broadcast_in_dim3A_62 : vector<2112x64xf32>
    %convert_element_type3A = arith.truncf %select_n3A_63 : vector<2112x64xf32> to vector<2112x64xbf16>
    %get3A_64 = arith.constant 0 : index
    %get3A_65 = arith.constant 0 : index
    %get3A_66 = vector.load %arg2[%get3A_64, %get3A_65] : memref<2112x64xf32, #tpu.memory_space<vmem>>, vector<2112x64xf32>
    %ge3A_67 = arith.constant 0 : i32
    %ge3A_68 = arith.cmpi sge, %arg0, %ge3A_67 : i32
    %mul3A_69 = vector.broadcast %mul3A_40 : vector<1x64xf32> to vector<2112x64xf32>
    %mul3A_70 = arith.mulf %get3A_66, %mul3A_69 : vector<2112x64xf32>
    %add3A_71 = vector.broadcast %sub3A_46 : vector<1x64xf32> to vector<2112x64xf32>
    %add3A_72 = arith.addf %mul3A_70, %add3A_71 : vector<2112x64xf32>
    %max3A_73 = arith.constant 0.000000e+00 : f32
    %max3A_74 = vector.broadcast %max3A_73 : f32 to vector<2112x64xf32>
    %max3A_75 = arith.maximumf %add3A_72, %max3A_74 : vector<2112x64xf32>
    %jit3A_76 = arith.constant 0.000000e+00 : f32
    %broadcast_in_dim3A_77 = vector.shape_cast %and3A_19 : vector<2112x1xi1> to vector<2112x1xi1>
    %broadcast_in_dim3A_78 = vector.broadcast %broadcast_in_dim3A_77 : vector<2112x1xi1> to vector<2112x64xi1>
    %broadcast_in_dim3A_79 = vector.broadcast %jit3A_76 : f32 to vector<2112x64xf32>
    %select_n3A_80 = arith.select %broadcast_in_dim3A_78, %max3A_75, %broadcast_in_dim3A_79 : vector<2112x64xi1>, vector<2112x64xf32>
    %jit3A_81 = arith.constant 0.000000e+00 : f32
    %broadcast_in_dim3A_82 = vector.broadcast %jit3A_81 : f32 to vector<2112x64xf32>
    %select_n3A_83 = arith.select %ge3A_68, %select_n3A_80, %broadcast_in_dim3A_82 : vector<2112x64xf32>
    %convert_element_type3A_84 = arith.truncf %select_n3A_83 : vector<2112x64xf32> to vector<2112x64xbf16>
    %get3A_85 = arith.constant 0 : index
    %get3A_86 = arith.constant 0 : index
    %get3A_87 = vector.load %arg3[%get3A_85, %get3A_86] : memref<2112x64xf32, #tpu.memory_space<vmem>>, vector<2112x64xf32>
    %lt3A_88 = arith.constant 31 : i32
    %lt3A_89 = arith.cmpi slt, %arg0, %lt3A_88 : i32
    %mul3A_90 = vector.broadcast %mul3A_40 : vector<1x64xf32> to vector<2112x64xf32>
    %mul3A_91 = arith.mulf %get3A_87, %mul3A_90 : vector<2112x64xf32>
    %add3A_92 = vector.broadcast %sub3A_46 : vector<1x64xf32> to vector<2112x64xf32>
    %add3A_93 = arith.addf %mul3A_91, %add3A_92 : vector<2112x64xf32>
    %max3A_94 = arith.constant 0.000000e+00 : f32
    %max3A_95 = vector.broadcast %max3A_94 : f32 to vector<2112x64xf32>
    %max3A_96 = arith.maximumf %add3A_93, %max3A_95 : vector<2112x64xf32>
    %jit3A_97 = arith.constant 0.000000e+00 : f32
    %broadcast_in_dim3A_98 = vector.shape_cast %and3A_19 : vector<2112x1xi1> to vector<2112x1xi1>
    %broadcast_in_dim3A_99 = vector.broadcast %broadcast_in_dim3A_98 : vector<2112x1xi1> to vector<2112x64xi1>
    %broadcast_in_dim3A_100 = vector.broadcast %jit3A_97 : f32 to vector<2112x64xf32>
    %select_n3A_101 = arith.select %broadcast_in_dim3A_99, %max3A_96, %broadcast_in_dim3A_100 : vector<2112x64xi1>, vector<2112x64xf32>
    %jit3A_102 = arith.constant 0.000000e+00 : f32
    %broadcast_in_dim3A_103 = vector.broadcast %jit3A_102 : f32 to vector<2112x64xf32>
    %select_n3A_104 = arith.select %lt3A_89, %select_n3A_101, %broadcast_in_dim3A_103 : vector<2112x64xf32>
    %convert_element_type3A_105 = arith.truncf %select_n3A_104 : vector<2112x64xf32> to vector<2112x64xbf16>
    %concatenate3A = tpu.concatenate %convert_element_type3A, %convert_element_type3A_84, %convert_element_type3A_105 in 0 : vector<2112x64xbf16>, vector<2112x64xbf16>, vector<2112x64xbf16> -> vector<6336x64xbf16>
    %broadcast_in_dim3A_106 = arith.constant 0.000000e+00 : f32
    %broadcast_in_dim3A_107 = vector.broadcast %broadcast_in_dim3A_106 : f32 to vector<2112x48xf32>
    %slice3A_108 = vector.extract_strided_slice %concatenate3A {offsets = [1847, 0], sizes = [2112, 64], strides = [1, 1]} : vector<6336x64xbf16> to vector<2112x64xbf16>
    %slice3A_109 = vector.extract_strided_slice %concatenate3A {offsets = [1848, 0], sizes = [2112, 64], strides = [1, 1]} : vector<6336x64xbf16> to vector<2112x64xbf16>
    %concatenate3A_110 = tpu.concatenate %slice3A_108, %slice3A_109 in 1 : vector<2112x64xbf16>, vector<2112x64xbf16> -> vector<2112x128xbf16>
    %get3A_111 = arith.constant 0 : index
    %get3A_112 = arith.constant 0 : index
    %get3A_113 = arith.constant 0 : index
    %get3A_114 = vector.load %arg7[%get3A_111, %get3A_112, %get3A_113] : memref<4x128x48xbf16, #tpu.memory_space<vmem>>, vector<1x128x48xbf16>
    %get3A_115 = vector.shape_cast %get3A_114 : vector<1x128x48xbf16> to vector<128x48xbf16>
    %dot_general3A = arith.constant dense<0.000000e+00> : vector<2112x48xf32>
    %dot_general3A_116 = tpu.matmul %concatenate3A_110, %get3A_115, %dot_general3A {dimension_numbers = #tpu.dot_dimension_numbers<[1], [0], [0], [1], [0, 0, 1, 1], [], []>, transpose_lhs_hint = false} : vector<2112x128xbf16>, vector<128x48xbf16>, vector<2112x48xf32> -> vector<2112x48xf32>
    %add3A_117 = arith.addf %broadcast_in_dim3A_107, %dot_general3A_116 : vector<2112x48xf32>
    %slice3A_118 = vector.extract_strided_slice %concatenate3A {offsets = [1849, 0], sizes = [2112, 64], strides = [1, 1]} : vector<6336x64xbf16> to vector<2112x64xbf16>
    %slice3A_119 = vector.extract_strided_slice %concatenate3A {offsets = [2111, 0], sizes = [2112, 64], strides = [1, 1]} : vector<6336x64xbf16> to vector<2112x64xbf16>
    %concatenate3A_120 = tpu.concatenate %slice3A_118, %slice3A_119 in 1 : vector<2112x64xbf16>, vector<2112x64xbf16> -> vector<2112x128xbf16>
    %get3A_121 = arith.constant 1 : index
    %get3A_122 = arith.constant 0 : index
    %get3A_123 = arith.constant 0 : index
    %get3A_124 = vector.load %arg7[%get3A_121, %get3A_122, %get3A_123] : memref<4x128x48xbf16, #tpu.memory_space<vmem>>, vector<1x128x48xbf16>
    %get3A_125 = vector.shape_cast %get3A_124 : vector<1x128x48xbf16> to vector<128x48xbf16>
    %dot_general3A_126 = arith.constant dense<0.000000e+00> : vector<2112x48xf32>
    %dot_general3A_127 = tpu.matmul %concatenate3A_120, %get3A_125, %dot_general3A_126 {dimension_numbers = #tpu.dot_dimension_numbers<[1], [0], [0], [1], [0, 0, 1, 1], [], []>, transpose_lhs_hint = false} : vector<2112x128xbf16>, vector<128x48xbf16>, vector<2112x48xf32> -> vector<2112x48xf32>
    %add3A_128 = arith.addf %add3A_117, %dot_general3A_127 : vector<2112x48xf32>
    %slice3A_129 = vector.extract_strided_slice %concatenate3A {offsets = [2112, 0], sizes = [2112, 64], strides = [1, 1]} : vector<6336x64xbf16> to vector<2112x64xbf16>
    %slice3A_130 = vector.extract_strided_slice %concatenate3A {offsets = [2113, 0], sizes = [2112, 64], strides = [1, 1]} : vector<6336x64xbf16> to vector<2112x64xbf16>
    %concatenate3A_131 = tpu.concatenate %slice3A_129, %slice3A_130 in 1 : vector<2112x64xbf16>, vector<2112x64xbf16> -> vector<2112x128xbf16>
    %get3A_132 = arith.constant 2 : index
    %get3A_133 = arith.constant 0 : index
    %get3A_134 = arith.constant 0 : index
    %get3A_135 = vector.load %arg7[%get3A_132, %get3A_133, %get3A_134] : memref<4x128x48xbf16, #tpu.memory_space<vmem>>, vector<1x128x48xbf16>
    %get3A_136 = vector.shape_cast %get3A_135 : vector<1x128x48xbf16> to vector<128x48xbf16>
    %dot_general3A_137 = arith.constant dense<0.000000e+00> : vector<2112x48xf32>
    %dot_general3A_138 = tpu.matmul %concatenate3A_131, %get3A_136, %dot_general3A_137 {dimension_numbers = #tpu.dot_dimension_numbers<[1], [0], [0], [1], [0, 0, 1, 1], [], []>, transpose_lhs_hint = false} : vector<2112x128xbf16>, vector<128x48xbf16>, vector<2112x48xf32> -> vector<2112x48xf32>
    %add3A_139 = arith.addf %add3A_128, %dot_general3A_138 : vector<2112x48xf32>
    %slice3A_140 = vector.extract_strided_slice %concatenate3A {offsets = [2375, 0], sizes = [2112, 64], strides = [1, 1]} : vector<6336x64xbf16> to vector<2112x64xbf16>
    %slice3A_141 = vector.extract_strided_slice %concatenate3A {offsets = [2376, 0], sizes = [2112, 64], strides = [1, 1]} : vector<6336x64xbf16> to vector<2112x64xbf16>
    %concatenate3A_142 = tpu.concatenate %slice3A_140, %slice3A_141 in 1 : vector<2112x64xbf16>, vector<2112x64xbf16> -> vector<2112x128xbf16>
    %get3A_143 = arith.constant 3 : index
    %get3A_144 = arith.constant 0 : index
    %get3A_145 = arith.constant 0 : index
    %get3A_146 = vector.load %arg7[%get3A_143, %get3A_144, %get3A_145] : memref<4x128x48xbf16, #tpu.memory_space<vmem>>, vector<1x128x48xbf16>
    %get3A_147 = vector.shape_cast %get3A_146 : vector<1x128x48xbf16> to vector<128x48xbf16>
    %dot_general3A_148 = arith.constant dense<0.000000e+00> : vector<2112x48xf32>
    %dot_general3A_149 = tpu.matmul %concatenate3A_142, %get3A_147, %dot_general3A_148 {dimension_numbers = #tpu.dot_dimension_numbers<[1], [0], [0], [1], [0, 0, 1, 1], [], []>, transpose_lhs_hint = false} : vector<2112x128xbf16>, vector<128x48xbf16>, vector<2112x48xf32> -> vector<2112x48xf32>
    %add3A_150 = arith.addf %add3A_139, %dot_general3A_149 : vector<2112x48xf32>
    %slice3A_151 = vector.extract_strided_slice %concatenate3A {offsets = [2377, 0], sizes = [2112, 64], strides = [1, 1]} : vector<6336x64xbf16> to vector<2112x64xbf16>
    %get3A_152 = arith.constant 0 : index
    %get3A_153 = arith.constant 0 : index
    %get3A_154 = arith.constant 0 : index
    %get3A_155 = vector.load %arg8[%get3A_152, %get3A_153, %get3A_154] : memref<1x64x48xbf16, #tpu.memory_space<vmem>>, vector<1x64x48xbf16>
    %get3A_156 = vector.shape_cast %get3A_155 : vector<1x64x48xbf16> to vector<64x48xbf16>
    %dot_general3A_157 = arith.constant dense<0.000000e+00> : vector<2112x48xf32>
    %dot_general3A_158 = tpu.matmul %slice3A_151, %get3A_156, %dot_general3A_157 {dimension_numbers = #tpu.dot_dimension_numbers<[1], [0], [0], [1], [0, 0, 1, 1], [], []>, transpose_lhs_hint = false} : vector<2112x64xbf16>, vector<64x48xbf16>, vector<2112x48xf32> -> vector<2112x48xf32>
    %add3A_159 = arith.addf %add3A_150, %dot_general3A_158 : vector<2112x48xf32>
    %swap3A = arith.constant 0 : index
    %swap3A_160 = arith.constant 0 : index
    %swap3A_161 = vector.load %arg9[%swap3A, %swap3A_160] : memref<2112x48xf32, #tpu.memory_space<vmem>>, vector<2112x48xf32>
    tpu.vector_store %arg9[%swap3A, %swap3A_160], %add3A_159 {strides = array<i32>} : memref<2112x48xf32, #tpu.memory_space<vmem>>, vector<2112x48xf32>,
    %jit3A_162 = arith.constant 0.000000e+00 : f32
    %broadcast_in_dim3A_163 = vector.shape_cast %and3A_19 : vector<2112x1xi1> to vector<2112x1xi1>
    %broadcast_in_dim3A_164 = vector.broadcast %broadcast_in_dim3A_163 : vector<2112x1xi1> to vector<2112x48xi1>
    %broadcast_in_dim3A_165 = vector.broadcast %jit3A_162 : f32 to vector<2112x48xf32>
    %select_n3A_166 = arith.select %broadcast_in_dim3A_164, %add3A_159, %broadcast_in_dim3A_165 : vector<2112x48xi1>, vector<2112x48xf32>
    %reduce_sum3A_167 = arith.constant dense<0.000000e+00> : vector<48xf32>
    %reduce_sum3A_168 = vector.multi_reduction <add>, %select_n3A_166, %reduce_sum3A_167 [0] : vector<2112x48xf32> to vector<48xf32>
    %swap3A_169 = arith.constant 0 : index
    %swap3A_170 = arith.constant 0 : index
    %swap3A_171 = arith.constant 0 : index
    %swap3A_172 = vector.load %arg10[%swap3A_169, %swap3A_170, %swap3A_171] : memref<1x8x48xf32, #tpu.memory_space<vmem>>, vector<1x1x48xf32>
    %swap3A_173 = vector.shape_cast %swap3A_172 : vector<1x1x48xf32> to vector<48xf32>
    %swap3A_174 = vector.shape_cast %reduce_sum3A_168 : vector<48xf32> to vector<1x1x48xf32>
    tpu.vector_store %arg10[%swap3A_169, %swap3A_170, %swap3A_171], %swap3A_174 {strides = array<i32>} : memref<1x8x48xf32, #tpu.memory_space<vmem>>, vector<1x1x48xf32>,
    %mul3A_175 = arith.mulf %select_n3A_166, %select_n3A_166 : vector<2112x48xf32>
    %reduce_sum3A_176 = arith.constant dense<0.000000e+00> : vector<48xf32>
    %reduce_sum3A_177 = vector.multi_reduction <add>, %mul3A_175, %reduce_sum3A_176 [0] : vector<2112x48xf32> to vector<48xf32>
    %swap3A_178 = arith.constant 0 : index
    %swap3A_179 = arith.constant 1 : index
    %swap3A_180 = arith.constant 0 : index
    %swap3A_181 = vector.load %arg10[%swap3A_178, %swap3A_179, %swap3A_180] : memref<1x8x48xf32, #tpu.memory_space<vmem>>, vector<1x1x48xf32>
    %swap3A_182 = vector.shape_cast %swap3A_181 : vector<1x1x48xf32> to vector<48xf32>
    %swap3A_183 = vector.shape_cast %reduce_sum3A_177 : vector<48xf32> to vector<1x1x48xf32>
    tpu.vector_store %arg10[%swap3A_178, %swap3A_179, %swap3A_180], %swap3A_183 {strides = array<i32>} : memref<1x8x48xf32, #tpu.memory_space<vmem>>, vector<1x1x48xf32>,
    return
  }
  func.func @transform_0(%arg0: i32) -> (i32, i32) {
    %c0_i32 = arith.constant 0 : i32
    %c0_i32_0 = arith.constant 0 : i32
    return %arg0, %c0_i32 : i32, i32
  }
  func.func @transform_1(%arg0: i32) -> (i32, i32) {
    %add3A = arith.constant 1 : i32
    %add3A_0 = arith.addi %arg0, %add3A : i32
    %c0_i32 = arith.constant 0 : i32
    %c0_i32_1 = arith.constant 0 : i32
    return %add3A_0, %c0_i32 : i32, i32
  }
  func.func @transform_2(%arg0: i32) -> (i32, i32) {
    %add3A = arith.constant 2 : i32
    %add3A_0 = arith.addi %arg0, %add3A : i32
    %c0_i32 = arith.constant 0 : i32
    %c0_i32_1 = arith.constant 0 : i32
    return %add3A_0, %c0_i32 : i32, i32
  }
  func.func @transform_3(%arg0: i32) -> (i32, i32, i32) {
    %c0_i32 = arith.constant 0 : i32
    %c0_i32_0 = arith.constant 0 : i32
    %c0_i32_1 = arith.constant 0 : i32
    %c0_i32_2 = arith.constant 0 : i32
    return %c0_i32, %c0_i32_0, %c0_i32_1 : i32, i32, i32
  }
  func.func @transform_4(%arg0: i32) -> (i32, i32) {
    %c0_i32 = arith.constant 0 : i32
    %c0_i32_0 = arith.constant 0 : i32
    %c0_i32_1 = arith.constant 0 : i32
    return %c0_i32, %c0_i32_0 : i32, i32
  }
  func.func @transform_5(%arg0: i32) -> (i32, i32) {
    %c0_i32 = arith.constant 0 : i32
    %c0_i32_0 = arith.constant 0 : i32
    %c0_i32_1 = arith.constant 0 : i32
    return %c0_i32, %c0_i32_0 : i32, i32
  }
  func.func @transform_6(%arg0: i32) -> (i32, i32, i32) {
    %c0_i32 = arith.constant 0 : i32
    %c0_i32_0 = arith.constant 0 : i32
    %c0_i32_1 = arith.constant 0 : i32
    %c0_i32_2 = arith.constant 0 : i32
    return %c0_i32, %c0_i32_0, %c0_i32_1 : i32, i32, i32
  }
  func.func @transform_7(%arg0: i32) -> (i32, i32, i32) {
    %c0_i32 = arith.constant 0 : i32
    %c0_i32_0 = arith.constant 0 : i32
    %c0_i32_1 = arith.constant 0 : i32
    %c0_i32_2 = arith.constant 0 : i32
    return %c0_i32, %c0_i32_0, %c0_i32_1 : i32, i32, i32
  }
  func.func @transform_8(%arg0: i32) -> (i32, i32) {
    %add3A = arith.constant 1 : i32
    %add3A_0 = arith.addi %arg0, %add3A : i32
    %c0_i32 = arith.constant 0 : i32
    %c0_i32_1 = arith.constant 0 : i32
    return %add3A_0, %c0_i32 : i32, i32
  }
  func.func @transform_9(%arg0: i32) -> (i32, i32, i32) {
    %c0_i32 = arith.constant 0 : i32
    %c0_i32_0 = arith.constant 0 : i32
    %c0_i32_1 = arith.constant 0 : i32
    return %arg0, %c0_i32, %c0_i32_0 : i32, i32, i32
  }
}

module attributes {stable_mosaic.version = 14 : i64} {
  func.func @_conv_body(%arg0: i32, %arg1: memref<2112x48xf32, #tpu.memory_space<vmem>>, %arg2: memref<2112x48xf32, #tpu.memory_space<vmem>>, %arg3: memref<2112x48xf32, #tpu.memory_space<vmem>>, %arg4: memref<32x8x48xf32, #tpu.memory_space<vmem>>, %arg5: memref<1x48xf32, #tpu.memory_space<vmem>>, %arg6: memref<1x48xf32, #tpu.memory_space<vmem>>, %arg7: memref<4x96x48xbf16, #tpu.memory_space<vmem>>, %arg8: memref<1x48x48xbf16, #tpu.memory_space<vmem>>, %arg9: memref<2112x48xf32, #tpu.memory_space<vmem>>, %arg10: memref<1x8x48xf32, #tpu.memory_space<vmem>>) attributes {dimension_semantics = [#tpu.dimension_semantics<arbitrary>], iteration_bounds = array<i64: 32>, scalar_prefetch = 0 : i64, scratch_operands = 0 : i64, tpu.core_type = #tpu.core_type<tc>, window_params = [{transform_indices = @transform_0, window_bounds = array<i64: 2112, 48>}, {transform_indices = @transform_1, window_bounds = array<i64: 2112, 48>}, {transform_indices = @transform_2, window_bounds = array<i64: 2112, 48>}, {pipeline_mode = #tpu.pipeline_mode<synchronous>, transform_indices = @transform_3, window_bounds = array<i64: 32, 8, 48>}, {pipeline_mode = #tpu.pipeline_mode<synchronous>, transform_indices = @transform_4, window_bounds = array<i64: 1, 48>}, {pipeline_mode = #tpu.pipeline_mode<synchronous>, transform_indices = @transform_5, window_bounds = array<i64: 1, 48>}, {pipeline_mode = #tpu.pipeline_mode<synchronous>, transform_indices = @transform_6, window_bounds = array<i64: 4, 96, 48>}, {pipeline_mode = #tpu.pipeline_mode<synchronous>, transform_indices = @transform_7, window_bounds = array<i64: 1, 48, 48>}, {transform_indices = @transform_8, window_bounds = array<i64: 2112, 48>}, {transform_indices = @transform_9, window_bounds = array<i64: 1, 8, 48>}]} {
    %iota3A = tpu.iota {dimensions = array<i32: 0>} : vector<2112x1xi32>
    %jit3A = arith.constant 264 : i32
    %eq3A = arith.constant 0 : i32
    %eq3A_0 = arith.cmpi eq, %jit3A, %eq3A : i32
    %jit3A_1 = arith.constant 1 : i32
    %select_n3A = arith.select %eq3A_0, %jit3A_1, %jit3A : i32
    %rem3A = vector.broadcast %select_n3A : i32 to vector<2112x1xi32>
    %rem3A_2 = arith.remsi %iota3A, %rem3A : vector<2112x1xi32>
    %ne3A = arith.constant 0 : i32
    %ne3A_3 = vector.broadcast %ne3A : i32 to vector<2112x1xi32>
    %ne3A_4 = arith.cmpi ne, %rem3A_2, %ne3A_3 : vector<2112x1xi32>
    %lt3A = arith.constant 0 : i32
    %lt3A_5 = vector.broadcast %lt3A : i32 to vector<2112x1xi32>
    %lt3A_6 = arith.cmpi slt, %rem3A_2, %lt3A_5 : vector<2112x1xi32>
    %lt3A_7 = arith.constant 0 : i32
    %lt3A_8 = arith.cmpi slt, %select_n3A, %lt3A_7 : i32
    %ne3A_9 = vector.broadcast %lt3A_8 : i1 to vector<2112x1xi1>
    %ne3A_10 = vector.broadcast %ne3A_9 : vector<2112x1xi1> to vector<2112x1xi1>
    %ne3A_11 = arith.xori %lt3A_6, %ne3A_10 : vector<2112x1xi1>
    %and3A = arith.andi %ne3A_11, %ne3A_4 : vector<2112x1xi1>
    %add3A = vector.broadcast %select_n3A : i32 to vector<2112x1xi32>
    %add3A_12 = arith.addi %rem3A_2, %add3A : vector<2112x1xi32>
    %select_n3A_13 = arith.select %and3A, %add3A_12, %rem3A_2 : vector<2112x1xi1>, vector<2112x1xi32>
    %ge3A = arith.constant 4 : i32
    %ge3A_14 = vector.broadcast %ge3A : i32 to vector<2112x1xi32>
    %ge3A_15 = arith.cmpi sge, %select_n3A_13, %ge3A_14 : vector<2112x1xi32>
    %lt3A_16 = arith.constant 260 : i32
    %lt3A_17 = vector.broadcast %lt3A_16 : i32 to vector<2112x1xi32>
    %lt3A_18 = arith.cmpi slt, %select_n3A_13, %lt3A_17 : vector<2112x1xi32>
    %and3A_19 = arith.andi %ge3A_15, %lt3A_18 : vector<2112x1xi1>
    %get3A = arith.constant 0 : index
    %get3A_20 = arith.constant 0 : index
    %get3A_21 = arith.constant 0 : index
    %get3A_22 = vector.load %arg4[%get3A, %get3A_20, %get3A_21] : memref<32x8x48xf32, #tpu.memory_space<vmem>>, vector<32x8x48xf32>
    %slice3A = vector.extract_strided_slice %get3A_22 {offsets = [0, 0, 0], sizes = [32, 1, 48], strides = [1, 1, 1]} : vector<32x8x48xf32> to vector<32x1x48xf32>
    %squeeze3A = vector.shape_cast %slice3A : vector<32x1x48xf32> to vector<32x48xf32>
    %reduce_sum3A = arith.constant dense<0.000000e+00> : vector<48xf32>
    %reduce_sum3A_23 = vector.multi_reduction <add>, %squeeze3A, %reduce_sum3A [0] : vector<32x48xf32> to vector<48xf32>
    %mul3A = arith.constant 1.52587891E-5 : f32
    %mul3A_24 = vector.broadcast %mul3A : f32 to vector<48xf32>
    %mul3A_25 = arith.mulf %reduce_sum3A_23, %mul3A_24 : vector<48xf32>
    %slice3A_26 = vector.extract_strided_slice %get3A_22 {offsets = [0, 1, 0], sizes = [32, 1, 48], strides = [1, 1, 1]} : vector<32x8x48xf32> to vector<32x1x48xf32>
    %squeeze3A_27 = vector.shape_cast %slice3A_26 : vector<32x1x48xf32> to vector<32x48xf32>
    %reduce_sum3A_28 = arith.constant dense<0.000000e+00> : vector<48xf32>
    %reduce_sum3A_29 = vector.multi_reduction <add>, %squeeze3A_27, %reduce_sum3A_28 [0] : vector<32x48xf32> to vector<48xf32>
    %mul3A_30 = arith.constant 1.52587891E-5 : f32
    %mul3A_31 = vector.broadcast %mul3A_30 : f32 to vector<48xf32>
    %mul3A_32 = arith.mulf %reduce_sum3A_29, %mul3A_31 : vector<48xf32>
    %mul3A_33 = arith.mulf %mul3A_25, %mul3A_25 : vector<48xf32>
    %sub3A = arith.subf %mul3A_32, %mul3A_33 : vector<48xf32>
    %get3A_34 = arith.constant 0 : index
    %get3A_35 = arith.constant 0 : index
    %get3A_36 = vector.load %arg5[%get3A_34, %get3A_35] : memref<1x48xf32, #tpu.memory_space<vmem>>, vector<1x48xf32>
    %add3A_37 = arith.constant 9.99999974E-6 : f32
    %add3A_38 = vector.broadcast %add3A_37 : f32 to vector<48xf32>
    %add3A_39 = arith.addf %sub3A, %add3A_38 : vector<48xf32>
    %rsqrt3A = math.rsqrt %add3A_39 : vector<48xf32>
    %reshape3A = vector.shape_cast %rsqrt3A : vector<48xf32> to vector<1x48xf32>
    %mul3A_40 = arith.mulf %get3A_36, %reshape3A : vector<1x48xf32>
    %get3A_41 = arith.constant 0 : index
    %get3A_42 = arith.constant 0 : index
    %get3A_43 = vector.load %arg6[%get3A_41, %get3A_42] : memref<1x48xf32, #tpu.memory_space<vmem>>, vector<1x48xf32>
    %reshape3A_44 = vector.shape_cast %mul3A_25 : vector<48xf32> to vector<1x48xf32>
    %mul3A_45 = arith.mulf %reshape3A_44, %mul3A_40 : vector<1x48xf32>
    %sub3A_46 = arith.subf %get3A_43, %mul3A_45 : vector<1x48xf32>
    %get3A_47 = arith.constant 0 : index
    %get3A_48 = arith.constant 0 : index
    %get3A_49 = vector.load %arg1[%get3A_47, %get3A_48] : memref<2112x48xf32, #tpu.memory_space<vmem>>, vector<2112x48xf32>
    %gt3A = arith.constant 0 : i32
    %gt3A_50 = arith.cmpi sgt, %arg0, %gt3A : i32
    %mul3A_51 = vector.broadcast %mul3A_40 : vector<1x48xf32> to vector<2112x48xf32>
    %mul3A_52 = arith.mulf %get3A_49, %mul3A_51 : vector<2112x48xf32>
    %add3A_53 = vector.broadcast %sub3A_46 : vector<1x48xf32> to vector<2112x48xf32>
    %add3A_54 = arith.addf %mul3A_52, %add3A_53 : vector<2112x48xf32>
    %max3A = arith.constant 0.000000e+00 : f32
    %max3A_55 = vector.broadcast %max3A : f32 to vector<2112x48xf32>
    %max3A_56 = arith.maximumf %add3A_54, %max3A_55 : vector<2112x48xf32>
    %jit3A_57 = arith.constant 0.000000e+00 : f32
    %broadcast_in_dim3A = vector.shape_cast %and3A_19 : vector<2112x1xi1> to vector<2112x1xi1>
    %broadcast_in_dim3A_58 = vector.broadcast %broadcast_in_dim3A : vector<2112x1xi1> to vector<2112x48xi1>
    %broadcast_in_dim3A_59 = vector.broadcast %jit3A_57 : f32 to vector<2112x48xf32>
    %select_n3A_60 = arith.select %broadcast_in_dim3A_58, %max3A_56, %broadcast_in_dim3A_59 : vector<2112x48xi1>, vector<2112x48xf32>
    %jit3A_61 = arith.constant 0.000000e+00 : f32
    %broadcast_in_dim3A_62 = vector.broadcast %jit3A_61 : f32 to vector<2112x48xf32>
    %select_n3A_63 = arith.select %gt3A_50, %select_n3A_60, %broadcast_in_dim3A_62 : vector<2112x48xf32>
    %convert_element_type3A = arith.truncf %select_n3A_63 : vector<2112x48xf32> to vector<2112x48xbf16>
    %get3A_64 = arith.constant 0 : index
    %get3A_65 = arith.constant 0 : index
    %get3A_66 = vector.load %arg2[%get3A_64, %get3A_65] : memref<2112x48xf32, #tpu.memory_space<vmem>>, vector<2112x48xf32>
    %ge3A_67 = arith.constant 0 : i32
    %ge3A_68 = arith.cmpi sge, %arg0, %ge3A_67 : i32
    %mul3A_69 = vector.broadcast %mul3A_40 : vector<1x48xf32> to vector<2112x48xf32>
    %mul3A_70 = arith.mulf %get3A_66, %mul3A_69 : vector<2112x48xf32>
    %add3A_71 = vector.broadcast %sub3A_46 : vector<1x48xf32> to vector<2112x48xf32>
    %add3A_72 = arith.addf %mul3A_70, %add3A_71 : vector<2112x48xf32>
    %max3A_73 = arith.constant 0.000000e+00 : f32
    %max3A_74 = vector.broadcast %max3A_73 : f32 to vector<2112x48xf32>
    %max3A_75 = arith.maximumf %add3A_72, %max3A_74 : vector<2112x48xf32>
    %jit3A_76 = arith.constant 0.000000e+00 : f32
    %broadcast_in_dim3A_77 = vector.shape_cast %and3A_19 : vector<2112x1xi1> to vector<2112x1xi1>
    %broadcast_in_dim3A_78 = vector.broadcast %broadcast_in_dim3A_77 : vector<2112x1xi1> to vector<2112x48xi1>
    %broadcast_in_dim3A_79 = vector.broadcast %jit3A_76 : f32 to vector<2112x48xf32>
    %select_n3A_80 = arith.select %broadcast_in_dim3A_78, %max3A_75, %broadcast_in_dim3A_79 : vector<2112x48xi1>, vector<2112x48xf32>
    %jit3A_81 = arith.constant 0.000000e+00 : f32
    %broadcast_in_dim3A_82 = vector.broadcast %jit3A_81 : f32 to vector<2112x48xf32>
    %select_n3A_83 = arith.select %ge3A_68, %select_n3A_80, %broadcast_in_dim3A_82 : vector<2112x48xf32>
    %convert_element_type3A_84 = arith.truncf %select_n3A_83 : vector<2112x48xf32> to vector<2112x48xbf16>
    %get3A_85 = arith.constant 0 : index
    %get3A_86 = arith.constant 0 : index
    %get3A_87 = vector.load %arg3[%get3A_85, %get3A_86] : memref<2112x48xf32, #tpu.memory_space<vmem>>, vector<2112x48xf32>
    %lt3A_88 = arith.constant 31 : i32
    %lt3A_89 = arith.cmpi slt, %arg0, %lt3A_88 : i32
    %mul3A_90 = vector.broadcast %mul3A_40 : vector<1x48xf32> to vector<2112x48xf32>
    %mul3A_91 = arith.mulf %get3A_87, %mul3A_90 : vector<2112x48xf32>
    %add3A_92 = vector.broadcast %sub3A_46 : vector<1x48xf32> to vector<2112x48xf32>
    %add3A_93 = arith.addf %mul3A_91, %add3A_92 : vector<2112x48xf32>
    %max3A_94 = arith.constant 0.000000e+00 : f32
    %max3A_95 = vector.broadcast %max3A_94 : f32 to vector<2112x48xf32>
    %max3A_96 = arith.maximumf %add3A_93, %max3A_95 : vector<2112x48xf32>
    %jit3A_97 = arith.constant 0.000000e+00 : f32
    %broadcast_in_dim3A_98 = vector.shape_cast %and3A_19 : vector<2112x1xi1> to vector<2112x1xi1>
    %broadcast_in_dim3A_99 = vector.broadcast %broadcast_in_dim3A_98 : vector<2112x1xi1> to vector<2112x48xi1>
    %broadcast_in_dim3A_100 = vector.broadcast %jit3A_97 : f32 to vector<2112x48xf32>
    %select_n3A_101 = arith.select %broadcast_in_dim3A_99, %max3A_96, %broadcast_in_dim3A_100 : vector<2112x48xi1>, vector<2112x48xf32>
    %jit3A_102 = arith.constant 0.000000e+00 : f32
    %broadcast_in_dim3A_103 = vector.broadcast %jit3A_102 : f32 to vector<2112x48xf32>
    %select_n3A_104 = arith.select %lt3A_89, %select_n3A_101, %broadcast_in_dim3A_103 : vector<2112x48xf32>
    %convert_element_type3A_105 = arith.truncf %select_n3A_104 : vector<2112x48xf32> to vector<2112x48xbf16>
    %concatenate3A = tpu.concatenate %convert_element_type3A, %convert_element_type3A_84, %convert_element_type3A_105 in 0 : vector<2112x48xbf16>, vector<2112x48xbf16>, vector<2112x48xbf16> -> vector<6336x48xbf16>
    %broadcast_in_dim3A_106 = arith.constant 0.000000e+00 : f32
    %broadcast_in_dim3A_107 = vector.broadcast %broadcast_in_dim3A_106 : f32 to vector<2112x48xf32>
    %slice3A_108 = vector.extract_strided_slice %concatenate3A {offsets = [1847, 0], sizes = [2112, 48], strides = [1, 1]} : vector<6336x48xbf16> to vector<2112x48xbf16>
    %slice3A_109 = vector.extract_strided_slice %concatenate3A {offsets = [1848, 0], sizes = [2112, 48], strides = [1, 1]} : vector<6336x48xbf16> to vector<2112x48xbf16>
    %concatenate3A_110 = tpu.concatenate %slice3A_108, %slice3A_109 in 1 : vector<2112x48xbf16>, vector<2112x48xbf16> -> vector<2112x96xbf16>
    %get3A_111 = arith.constant 0 : index
    %get3A_112 = arith.constant 0 : index
    %get3A_113 = arith.constant 0 : index
    %get3A_114 = vector.load %arg7[%get3A_111, %get3A_112, %get3A_113] : memref<4x96x48xbf16, #tpu.memory_space<vmem>>, vector<1x96x48xbf16>
    %get3A_115 = vector.shape_cast %get3A_114 : vector<1x96x48xbf16> to vector<96x48xbf16>
    %dot_general3A = arith.constant dense<0.000000e+00> : vector<2112x48xf32>
    %dot_general3A_116 = tpu.matmul %concatenate3A_110, %get3A_115, %dot_general3A {dimension_numbers = #tpu.dot_dimension_numbers<[1], [0], [0], [1], [0, 0, 1, 1], [], []>, transpose_lhs_hint = false} : vector<2112x96xbf16>, vector<96x48xbf16>, vector<2112x48xf32> -> vector<2112x48xf32>
    %add3A_117 = arith.addf %broadcast_in_dim3A_107, %dot_general3A_116 : vector<2112x48xf32>
    %slice3A_118 = vector.extract_strided_slice %concatenate3A {offsets = [1849, 0], sizes = [2112, 48], strides = [1, 1]} : vector<6336x48xbf16> to vector<2112x48xbf16>
    %slice3A_119 = vector.extract_strided_slice %concatenate3A {offsets = [2111, 0], sizes = [2112, 48], strides = [1, 1]} : vector<6336x48xbf16> to vector<2112x48xbf16>
    %concatenate3A_120 = tpu.concatenate %slice3A_118, %slice3A_119 in 1 : vector<2112x48xbf16>, vector<2112x48xbf16> -> vector<2112x96xbf16>
    %get3A_121 = arith.constant 1 : index
    %get3A_122 = arith.constant 0 : index
    %get3A_123 = arith.constant 0 : index
    %get3A_124 = vector.load %arg7[%get3A_121, %get3A_122, %get3A_123] : memref<4x96x48xbf16, #tpu.memory_space<vmem>>, vector<1x96x48xbf16>
    %get3A_125 = vector.shape_cast %get3A_124 : vector<1x96x48xbf16> to vector<96x48xbf16>
    %dot_general3A_126 = arith.constant dense<0.000000e+00> : vector<2112x48xf32>
    %dot_general3A_127 = tpu.matmul %concatenate3A_120, %get3A_125, %dot_general3A_126 {dimension_numbers = #tpu.dot_dimension_numbers<[1], [0], [0], [1], [0, 0, 1, 1], [], []>, transpose_lhs_hint = false} : vector<2112x96xbf16>, vector<96x48xbf16>, vector<2112x48xf32> -> vector<2112x48xf32>
    %add3A_128 = arith.addf %add3A_117, %dot_general3A_127 : vector<2112x48xf32>
    %slice3A_129 = vector.extract_strided_slice %concatenate3A {offsets = [2112, 0], sizes = [2112, 48], strides = [1, 1]} : vector<6336x48xbf16> to vector<2112x48xbf16>
    %slice3A_130 = vector.extract_strided_slice %concatenate3A {offsets = [2113, 0], sizes = [2112, 48], strides = [1, 1]} : vector<6336x48xbf16> to vector<2112x48xbf16>
    %concatenate3A_131 = tpu.concatenate %slice3A_129, %slice3A_130 in 1 : vector<2112x48xbf16>, vector<2112x48xbf16> -> vector<2112x96xbf16>
    %get3A_132 = arith.constant 2 : index
    %get3A_133 = arith.constant 0 : index
    %get3A_134 = arith.constant 0 : index
    %get3A_135 = vector.load %arg7[%get3A_132, %get3A_133, %get3A_134] : memref<4x96x48xbf16, #tpu.memory_space<vmem>>, vector<1x96x48xbf16>
    %get3A_136 = vector.shape_cast %get3A_135 : vector<1x96x48xbf16> to vector<96x48xbf16>
    %dot_general3A_137 = arith.constant dense<0.000000e+00> : vector<2112x48xf32>
    %dot_general3A_138 = tpu.matmul %concatenate3A_131, %get3A_136, %dot_general3A_137 {dimension_numbers = #tpu.dot_dimension_numbers<[1], [0], [0], [1], [0, 0, 1, 1], [], []>, transpose_lhs_hint = false} : vector<2112x96xbf16>, vector<96x48xbf16>, vector<2112x48xf32> -> vector<2112x48xf32>
    %add3A_139 = arith.addf %add3A_128, %dot_general3A_138 : vector<2112x48xf32>
    %slice3A_140 = vector.extract_strided_slice %concatenate3A {offsets = [2375, 0], sizes = [2112, 48], strides = [1, 1]} : vector<6336x48xbf16> to vector<2112x48xbf16>
    %slice3A_141 = vector.extract_strided_slice %concatenate3A {offsets = [2376, 0], sizes = [2112, 48], strides = [1, 1]} : vector<6336x48xbf16> to vector<2112x48xbf16>
    %concatenate3A_142 = tpu.concatenate %slice3A_140, %slice3A_141 in 1 : vector<2112x48xbf16>, vector<2112x48xbf16> -> vector<2112x96xbf16>
    %get3A_143 = arith.constant 3 : index
    %get3A_144 = arith.constant 0 : index
    %get3A_145 = arith.constant 0 : index
    %get3A_146 = vector.load %arg7[%get3A_143, %get3A_144, %get3A_145] : memref<4x96x48xbf16, #tpu.memory_space<vmem>>, vector<1x96x48xbf16>
    %get3A_147 = vector.shape_cast %get3A_146 : vector<1x96x48xbf16> to vector<96x48xbf16>
    %dot_general3A_148 = arith.constant dense<0.000000e+00> : vector<2112x48xf32>
    %dot_general3A_149 = tpu.matmul %concatenate3A_142, %get3A_147, %dot_general3A_148 {dimension_numbers = #tpu.dot_dimension_numbers<[1], [0], [0], [1], [0, 0, 1, 1], [], []>, transpose_lhs_hint = false} : vector<2112x96xbf16>, vector<96x48xbf16>, vector<2112x48xf32> -> vector<2112x48xf32>
    %add3A_150 = arith.addf %add3A_139, %dot_general3A_149 : vector<2112x48xf32>
    %slice3A_151 = vector.extract_strided_slice %concatenate3A {offsets = [2377, 0], sizes = [2112, 48], strides = [1, 1]} : vector<6336x48xbf16> to vector<2112x48xbf16>
    %get3A_152 = arith.constant 0 : index
    %get3A_153 = arith.constant 0 : index
    %get3A_154 = arith.constant 0 : index
    %get3A_155 = vector.load %arg8[%get3A_152, %get3A_153, %get3A_154] : memref<1x48x48xbf16, #tpu.memory_space<vmem>>, vector<1x48x48xbf16>
    %get3A_156 = vector.shape_cast %get3A_155 : vector<1x48x48xbf16> to vector<48x48xbf16>
    %dot_general3A_157 = arith.constant dense<0.000000e+00> : vector<2112x48xf32>
    %dot_general3A_158 = tpu.matmul %slice3A_151, %get3A_156, %dot_general3A_157 {dimension_numbers = #tpu.dot_dimension_numbers<[1], [0], [0], [1], [0, 0, 1, 1], [], []>, transpose_lhs_hint = false} : vector<2112x48xbf16>, vector<48x48xbf16>, vector<2112x48xf32> -> vector<2112x48xf32>
    %add3A_159 = arith.addf %add3A_150, %dot_general3A_158 : vector<2112x48xf32>
    %swap3A = arith.constant 0 : index
    %swap3A_160 = arith.constant 0 : index
    %swap3A_161 = vector.load %arg9[%swap3A, %swap3A_160] : memref<2112x48xf32, #tpu.memory_space<vmem>>, vector<2112x48xf32>
    tpu.vector_store %arg9[%swap3A, %swap3A_160], %add3A_159 {strides = array<i32>} : memref<2112x48xf32, #tpu.memory_space<vmem>>, vector<2112x48xf32>,
    %jit3A_162 = arith.constant 0.000000e+00 : f32
    %broadcast_in_dim3A_163 = vector.shape_cast %and3A_19 : vector<2112x1xi1> to vector<2112x1xi1>
    %broadcast_in_dim3A_164 = vector.broadcast %broadcast_in_dim3A_163 : vector<2112x1xi1> to vector<2112x48xi1>
    %broadcast_in_dim3A_165 = vector.broadcast %jit3A_162 : f32 to vector<2112x48xf32>
    %select_n3A_166 = arith.select %broadcast_in_dim3A_164, %add3A_159, %broadcast_in_dim3A_165 : vector<2112x48xi1>, vector<2112x48xf32>
    %reduce_sum3A_167 = arith.constant dense<0.000000e+00> : vector<48xf32>
    %reduce_sum3A_168 = vector.multi_reduction <add>, %select_n3A_166, %reduce_sum3A_167 [0] : vector<2112x48xf32> to vector<48xf32>
    %swap3A_169 = arith.constant 0 : index
    %swap3A_170 = arith.constant 0 : index
    %swap3A_171 = arith.constant 0 : index
    %swap3A_172 = vector.load %arg10[%swap3A_169, %swap3A_170, %swap3A_171] : memref<1x8x48xf32, #tpu.memory_space<vmem>>, vector<1x1x48xf32>
    %swap3A_173 = vector.shape_cast %swap3A_172 : vector<1x1x48xf32> to vector<48xf32>
    %swap3A_174 = vector.shape_cast %reduce_sum3A_168 : vector<48xf32> to vector<1x1x48xf32>
    tpu.vector_store %arg10[%swap3A_169, %swap3A_170, %swap3A_171], %swap3A_174 {strides = array<i32>} : memref<1x8x48xf32, #tpu.memory_space<vmem>>, vector<1x1x48xf32>,
    %mul3A_175 = arith.mulf %select_n3A_166, %select_n3A_166 : vector<2112x48xf32>
    %reduce_sum3A_176 = arith.constant dense<0.000000e+00> : vector<48xf32>
    %reduce_sum3A_177 = vector.multi_reduction <add>, %mul3A_175, %reduce_sum3A_176 [0] : vector<2112x48xf32> to vector<48xf32>
    %swap3A_178 = arith.constant 0 : index
    %swap3A_179 = arith.constant 1 : index
    %swap3A_180 = arith.constant 0 : index
    %swap3A_181 = vector.load %arg10[%swap3A_178, %swap3A_179, %swap3A_180] : memref<1x8x48xf32, #tpu.memory_space<vmem>>, vector<1x1x48xf32>
    %swap3A_182 = vector.shape_cast %swap3A_181 : vector<1x1x48xf32> to vector<48xf32>
    %swap3A_183 = vector.shape_cast %reduce_sum3A_177 : vector<48xf32> to vector<1x1x48xf32>
    tpu.vector_store %arg10[%swap3A_178, %swap3A_179, %swap3A_180], %swap3A_183 {strides = array<i32>} : memref<1x8x48xf32, #tpu.memory_space<vmem>>, vector<1x1x48xf32>,
    return
  }
  func.func @transform_0(%arg0: i32) -> (i32, i32) {
    %c0_i32 = arith.constant 0 : i32
    %c0_i32_0 = arith.constant 0 : i32
    return %arg0, %c0_i32 : i32, i32
  }
  func.func @transform_1(%arg0: i32) -> (i32, i32) {
    %add3A = arith.constant 1 : i32
    %add3A_0 = arith.addi %arg0, %add3A : i32
    %c0_i32 = arith.constant 0 : i32
    %c0_i32_1 = arith.constant 0 : i32
    return %add3A_0, %c0_i32 : i32, i32
  }
  func.func @transform_2(%arg0: i32) -> (i32, i32) {
    %add3A = arith.constant 2 : i32
    %add3A_0 = arith.addi %arg0, %add3A : i32
    %c0_i32 = arith.constant 0 : i32
    %c0_i32_1 = arith.constant 0 : i32
    return %add3A_0, %c0_i32 : i32, i32
  }
  func.func @transform_3(%arg0: i32) -> (i32, i32, i32) {
    %c0_i32 = arith.constant 0 : i32
    %c0_i32_0 = arith.constant 0 : i32
    %c0_i32_1 = arith.constant 0 : i32
    %c0_i32_2 = arith.constant 0 : i32
    return %c0_i32, %c0_i32_0, %c0_i32_1 : i32, i32, i32
  }
  func.func @transform_4(%arg0: i32) -> (i32, i32) {
    %c0_i32 = arith.constant 0 : i32
    %c0_i32_0 = arith.constant 0 : i32
    %c0_i32_1 = arith.constant 0 : i32
    return %c0_i32, %c0_i32_0 : i32, i32
  }
  func.func @transform_5(%arg0: i32) -> (i32, i32) {
    %c0_i32 = arith.constant 0 : i32
    %c0_i32_0 = arith.constant 0 : i32
    %c0_i32_1 = arith.constant 0 : i32
    return %c0_i32, %c0_i32_0 : i32, i32
  }
  func.func @transform_6(%arg0: i32) -> (i32, i32, i32) {
    %c0_i32 = arith.constant 0 : i32
    %c0_i32_0 = arith.constant 0 : i32
    %c0_i32_1 = arith.constant 0 : i32
    %c0_i32_2 = arith.constant 0 : i32
    return %c0_i32, %c0_i32_0, %c0_i32_1 : i32, i32, i32
  }
  func.func @transform_7(%arg0: i32) -> (i32, i32, i32) {
    %c0_i32 = arith.constant 0 : i32
    %c0_i32_0 = arith.constant 0 : i32
    %c0_i32_1 = arith.constant 0 : i32
    %c0_i32_2 = arith.constant 0 : i32
    return %c0_i32, %c0_i32_0, %c0_i32_1 : i32, i32, i32
  }
  func.func @transform_8(%arg0: i32) -> (i32, i32) {
    %add3A = arith.constant 1 : i32
    %add3A_0 = arith.addi %arg0, %add3A : i32
    %c0_i32 = arith.constant 0 : i32
    %c0_i32_1 = arith.constant 0 : i32
    return %add3A_0, %c0_i32 : i32, i32
  }
  func.func @transform_9(%arg0: i32) -> (i32, i32, i32) {
    %c0_i32 = arith.constant 0 : i32
    %c0_i32_0 = arith.constant 0 : i32
    %c0_i32_1 = arith.constant 0 : i32
    return %arg0, %c0_i32, %c0_i32_0 : i32, i32, i32
  }
}

module attributes {stable_mosaic.version = 14 : i64} {
  func.func @_head_body(%arg0: i32, %arg1: memref<2112x48xf32, #tpu.memory_space<vmem>>, %arg2: memref<32x8x48xf32, #tpu.memory_space<vmem>>, %arg3: memref<1x48xf32, #tpu.memory_space<vmem>>, %arg4: memref<1x48xf32, #tpu.memory_space<vmem>>, %arg5: memref<48x13xbf16, #tpu.memory_space<vmem>>, %arg6: memref<1x13xf32, #tpu.memory_space<vmem>>, %arg7: memref<2112x13xf32, #tpu.memory_space<vmem>>) attributes {dimension_semantics = [#tpu.dimension_semantics<arbitrary>], iteration_bounds = array<i64: 32>, scalar_prefetch = 0 : i64, scratch_operands = 0 : i64, tpu.core_type = #tpu.core_type<tc>, window_params = [{transform_indices = @transform_0, window_bounds = array<i64: 2112, 48>}, {pipeline_mode = #tpu.pipeline_mode<synchronous>, transform_indices = @transform_1, window_bounds = array<i64: 32, 8, 48>}, {pipeline_mode = #tpu.pipeline_mode<synchronous>, transform_indices = @transform_2, window_bounds = array<i64: 1, 48>}, {pipeline_mode = #tpu.pipeline_mode<synchronous>, transform_indices = @transform_3, window_bounds = array<i64: 1, 48>}, {pipeline_mode = #tpu.pipeline_mode<synchronous>, transform_indices = @transform_4, window_bounds = array<i64: 48, 13>}, {pipeline_mode = #tpu.pipeline_mode<synchronous>, transform_indices = @transform_5, window_bounds = array<i64: 1, 13>}, {transform_indices = @transform_6, window_bounds = array<i64: 2112, 13>}]} {
    %get3A = arith.constant 0 : index
    %get3A_0 = arith.constant 0 : index
    %get3A_1 = arith.constant 0 : index
    %get3A_2 = vector.load %arg2[%get3A, %get3A_0, %get3A_1] : memref<32x8x48xf32, #tpu.memory_space<vmem>>, vector<32x8x48xf32>
    %slice3A = vector.extract_strided_slice %get3A_2 {offsets = [0, 0, 0], sizes = [32, 1, 48], strides = [1, 1, 1]} : vector<32x8x48xf32> to vector<32x1x48xf32>
    %squeeze3A = vector.shape_cast %slice3A : vector<32x1x48xf32> to vector<32x48xf32>
    %reduce_sum3A = arith.constant dense<0.000000e+00> : vector<48xf32>
    %reduce_sum3A_3 = vector.multi_reduction <add>, %squeeze3A, %reduce_sum3A [0] : vector<32x48xf32> to vector<48xf32>
    %mul3A = arith.constant 1.52587891E-5 : f32
    %mul3A_4 = vector.broadcast %mul3A : f32 to vector<48xf32>
    %mul3A_5 = arith.mulf %reduce_sum3A_3, %mul3A_4 : vector<48xf32>
    %slice3A_6 = vector.extract_strided_slice %get3A_2 {offsets = [0, 1, 0], sizes = [32, 1, 48], strides = [1, 1, 1]} : vector<32x8x48xf32> to vector<32x1x48xf32>
    %squeeze3A_7 = vector.shape_cast %slice3A_6 : vector<32x1x48xf32> to vector<32x48xf32>
    %reduce_sum3A_8 = arith.constant dense<0.000000e+00> : vector<48xf32>
    %reduce_sum3A_9 = vector.multi_reduction <add>, %squeeze3A_7, %reduce_sum3A_8 [0] : vector<32x48xf32> to vector<48xf32>
    %mul3A_10 = arith.constant 1.52587891E-5 : f32
    %mul3A_11 = vector.broadcast %mul3A_10 : f32 to vector<48xf32>
    %mul3A_12 = arith.mulf %reduce_sum3A_9, %mul3A_11 : vector<48xf32>
    %mul3A_13 = arith.mulf %mul3A_5, %mul3A_5 : vector<48xf32>
    %sub3A = arith.subf %mul3A_12, %mul3A_13 : vector<48xf32>
    %get3A_14 = arith.constant 0 : index
    %get3A_15 = arith.constant 0 : index
    %get3A_16 = vector.load %arg3[%get3A_14, %get3A_15] : memref<1x48xf32, #tpu.memory_space<vmem>>, vector<1x48xf32>
    %add3A = arith.constant 9.99999974E-6 : f32
    %add3A_17 = vector.broadcast %add3A : f32 to vector<48xf32>
    %add3A_18 = arith.addf %sub3A, %add3A_17 : vector<48xf32>
    %rsqrt3A = math.rsqrt %add3A_18 : vector<48xf32>
    %reshape3A = vector.shape_cast %rsqrt3A : vector<48xf32> to vector<1x48xf32>
    %mul3A_19 = arith.mulf %get3A_16, %reshape3A : vector<1x48xf32>
    %get3A_20 = arith.constant 0 : index
    %get3A_21 = arith.constant 0 : index
    %get3A_22 = vector.load %arg4[%get3A_20, %get3A_21] : memref<1x48xf32, #tpu.memory_space<vmem>>, vector<1x48xf32>
    %reshape3A_23 = vector.shape_cast %mul3A_5 : vector<48xf32> to vector<1x48xf32>
    %mul3A_24 = arith.mulf %reshape3A_23, %mul3A_19 : vector<1x48xf32>
    %sub3A_25 = arith.subf %get3A_22, %mul3A_24 : vector<1x48xf32>
    %get3A_26 = arith.constant 0 : index
    %get3A_27 = arith.constant 0 : index
    %get3A_28 = vector.load %arg1[%get3A_26, %get3A_27] : memref<2112x48xf32, #tpu.memory_space<vmem>>, vector<2112x48xf32>
    %mul3A_29 = vector.broadcast %mul3A_19 : vector<1x48xf32> to vector<2112x48xf32>
    %mul3A_30 = arith.mulf %get3A_28, %mul3A_29 : vector<2112x48xf32>
    %add3A_31 = vector.broadcast %sub3A_25 : vector<1x48xf32> to vector<2112x48xf32>
    %add3A_32 = arith.addf %mul3A_30, %add3A_31 : vector<2112x48xf32>
    %max3A = arith.constant 0.000000e+00 : f32
    %max3A_33 = vector.broadcast %max3A : f32 to vector<2112x48xf32>
    %max3A_34 = arith.maximumf %add3A_32, %max3A_33 : vector<2112x48xf32>
    %convert_element_type3A = arith.truncf %max3A_34 : vector<2112x48xf32> to vector<2112x48xbf16>
    %get3A_35 = arith.constant 0 : index
    %get3A_36 = arith.constant 0 : index
    %get3A_37 = vector.load %arg5[%get3A_35, %get3A_36] : memref<48x13xbf16, #tpu.memory_space<vmem>>, vector<48x13xbf16>
    %dot_general3A = arith.constant dense<0.000000e+00> : vector<2112x13xf32>
    %dot_general3A_38 = tpu.matmul %convert_element_type3A, %get3A_37, %dot_general3A {dimension_numbers = #tpu.dot_dimension_numbers<[1], [0], [0], [1], [0, 0, 1, 1], [], []>, transpose_lhs_hint = false} : vector<2112x48xbf16>, vector<48x13xbf16>, vector<2112x13xf32> -> vector<2112x13xf32>
    %get3A_39 = arith.constant 0 : index
    %get3A_40 = arith.constant 0 : index
    %get3A_41 = vector.load %arg6[%get3A_39, %get3A_40] : memref<1x13xf32, #tpu.memory_space<vmem>>, vector<1x13xf32>
    %add3A_42 = vector.broadcast %get3A_41 : vector<1x13xf32> to vector<2112x13xf32>
    %add3A_43 = arith.addf %dot_general3A_38, %add3A_42 : vector<2112x13xf32>
    %swap3A = arith.constant 0 : index
    %swap3A_44 = arith.constant 0 : index
    %swap3A_45 = vector.load %arg7[%swap3A, %swap3A_44] : memref<2112x13xf32, #tpu.memory_space<vmem>>, vector<2112x13xf32>
    tpu.vector_store %arg7[%swap3A, %swap3A_44], %add3A_43 {strides = array<i32>} : memref<2112x13xf32, #tpu.memory_space<vmem>>, vector<2112x13xf32>,
    return
  }
  func.func @transform_0(%arg0: i32) -> (i32, i32) {
    %add3A = arith.constant 1 : i32
    %add3A_0 = arith.addi %arg0, %add3A : i32
    %c0_i32 = arith.constant 0 : i32
    %c0_i32_1 = arith.constant 0 : i32
    return %add3A_0, %c0_i32 : i32, i32
  }
  func.func @transform_1(%arg0: i32) -> (i32, i32, i32) {
    %c0_i32 = arith.constant 0 : i32
    %c0_i32_0 = arith.constant 0 : i32
    %c0_i32_1 = arith.constant 0 : i32
    %c0_i32_2 = arith.constant 0 : i32
    return %c0_i32, %c0_i32_0, %c0_i32_1 : i32, i32, i32
  }
  func.func @transform_2(%arg0: i32) -> (i32, i32) {
    %c0_i32 = arith.constant 0 : i32
    %c0_i32_0 = arith.constant 0 : i32
    %c0_i32_1 = arith.constant 0 : i32
    return %c0_i32, %c0_i32_0 : i32, i32
  }
  func.func @transform_3(%arg0: i32) -> (i32, i32) {
    %c0_i32 = arith.constant 0 : i32
    %c0_i32_0 = arith.constant 0 : i32
    %c0_i32_1 = arith.constant 0 : i32
    return %c0_i32, %c0_i32_0 : i32, i32
  }
  func.func @transform_4(%arg0: i32) -> (i32, i32) {
    %c0_i32 = arith.constant 0 : i32
    %c0_i32_0 = arith.constant 0 : i32
    %c0_i32_1 = arith.constant 0 : i32
    return %c0_i32, %c0_i32_0 : i32, i32
  }
  func.func @transform_5(%arg0: i32) -> (i32, i32) {
    %c0_i32 = arith.constant 0 : i32
    %c0_i32_0 = arith.constant 0 : i32
    %c0_i32_1 = arith.constant 0 : i32
    return %c0_i32, %c0_i32_0 : i32, i32
  }
  func.func @transform_6(%arg0: i32) -> (i32, i32) {
    %add3A = arith.constant 1 : i32
    %add3A_0 = arith.addi %arg0, %add3A : i32
    %c0_i32 = arith.constant 0 : i32
    %c0_i32_1 = arith.constant 0 : i32
    return %add3A_0, %c0_i32 : i32, i32
  }
}

</mosaic_0001>

<sc_bundles>
// kernel: sparse-core-data-format-call.cloned.1.call-start
scs
called_computation_lowered:
.L_overlay_start_0:
0x0: {  	s2 =	sld [smem:$0x3FD9]  }
0x1: {  	s3 =	sld [smem:$0x3FFE];
	_ =	sdelay $0x1  }
0x2: {  	s1 =	srdreg.scid  }
0x3: {  	s0 =	sand.u32 $0x1, s1  }
0x4: {  	s18 =	sshll.u32 s0, $0xA;
	s2 =	sadd.s32 s3, s2  }
0x5: {  	s2 =	sadd.s32 s2, s18  }
0x6: {  	[smem:$0x3FB4] =	sst s2  }
0x7: {  	_ = 	snop  }
0x8: {  	s2 =	sld [smem:$0x3FC9];
	(tm) =	ssettm $0x1  }
0x9: {  	s19 =	sld [smem:$0x3FFB];
	_ =	sdelay $0x3  }
0xa: {  	_ =	strace s19  }
0xb: {  	s3 =	sld [smem:$0x3FFC];
	_ =	sdelay $0x3  }
0xc: {  	_ =	strace s3  }
0xd: {  	s3 =	sld [smem:$0x3FFD];
	_ =	sdelay $0x3  }
0xe: {  	_ =	strace s3  }
0xf: {  	_ =	strace $0x8FFFFFFF  }
0x10: {  	s20 =	sld [smem:$0x3FDB];
	_ =	sdelay $0x1  }
0x11: {  	s4 =	simm.s32 $_scs_section_size  }
0x12: {  	s5 =	simm.s32 $_size__tile_overlayer_lowered;
	s6 =	simm.s32 $_tile_overlayer_lowered  }
0x13: {  	s23 =	simm.s32 $0x1BFF;
	s22 =	sshll.u32 s6, $0x1;
	s3 =	sadd.s32 s4, s20  }
0x14: {  	s7 =	simm.s32 $0x0;
	s21 =	sshll.u32 s5, $0x1;
	s5 =	sadd.s32 s22, s3  }
0x15: {  	[timem:s7], [sflag:s23] =	dma.local [hbm:s5], s21  }
0x16: {  	_ =	swait.ge [sflag:s23], s21  }
0x17: {  	s4 =	ssub.s32 $0x0, s21;
	[sflag:s23] =	ssyncset.done $0x0  }
0x18: {  	[sflag:s23] =	ssyncadd.s32 s4;
	_ =	sdelay $0x1  }
0x19: {  	s24 =	simm.s32 $0x1B8B  }
0x1a: {  	_ =	swait.ge [sflag:s24], $0x1  }
0x1b: {  	[sflag:s24] =	ssyncset.done $0x0  }
0x1c: {  	s26 =	simm.s32 $0x1B8E;
	s25 =	sld [smem:$0x3FFE];
	[sflag:s24] =	ssyncadd.s32 $0xFFFFFFFF  }
0x1d: {  	s27 =	simm.s32 $execute0_lowered;
	[smem:$0x3FD2] =	sst s26  }
0x1e: {  	s5 =	sshll.u32 s27, $0x1;
	_ =	strace $0x80000046;
	[dreg:$0x1] =	wrdreg $0xFFFFFFFF  }
0x1f: {  	s28 =	simm.s32 $_size_execute0_lowered;
	s3 =	sadd.s32 s3, s5;
	[dreg:$0x0] =	wrdreg $0x0  }
0x20: {  	s5 =	sshll.u32 s28, $0x1;
	[dreg:$0x2] =	wrdreg s3  }
0x21: {  	[dreg:$0x3] =	wrdreg s5  }
0x22: {  	[dreg:$0x4] =	wrdreg $0xC0  }
0x23: {  	_ =	task [dreg:s7], $0x5FFFF  }
0x24: {  	[dreg:$0x1] =	wrdreg $0xFFFFFFFF  }
0x25: {  	[dreg:$0x0] =	wrdreg $0x60  }
0x26: {  	[dreg:$0x2] =	wrdreg s2  }
0x27: {  	[dreg:$0x3] =	wrdreg s25  }
0x28: {  	[dreg:$0x4] =	wrdreg $0x9  }
0x29: {  	_ =	task.clear_ibuf [dreg:s7], $0x5FFFF;
	_ =	strace $0x90000046  }
0x2a: {  	s29 =	simm.s32 $0x9;
	_ =	strace $0x80000048  }
0x2b: {  	_ =	swait.ge [sflag:s29], $0x1  }
0x2c: {  	[sflag:s29] =	ssyncadd.s32 $0xFFFFFFFF  }
0x2d: {  	_ =	strace $0x90000048  }
0x2e: {  	_ =	sfence  }
0x2f: {  	s30 =	sld [smem:$0x0];
	_ =	sdelay $0x2  }
0x30: {  	s31 =	sshll.u32 s1, $0xD;
	s1 =	sshrl.u32 s1, $0x2  }
0x31: {  	s3 =	sand.u32 $0x4000, s31;
	s1 =	sadd.s32 s1, s30  }
0x32: {  	s0 =	sor.u32 s3, s0;
	s1 =	sshll.u32 s1, $0x11  }
0x33: {  	s0 =	sor.u32 s1, s0  }
0x34: {  	s0 =	sadd.s32 $0x8F2B, s0  }
0x35: {  	[sflag:s0] =	ssyncadd.remote.s32 $0x1  }
0x36: {  	_ =	sfence.sel $0xFFFF  }
0x37: {  	[dreg:$0x0] =	wrdreg $0xFFFFFFFF;
	(pc) =	sbr.abs _section_cstart, $3  }
0x38: {  	[dreg:$0x1] =	wrdreg $0xFFFFFFFF  }
0x39: {  	_ =	task.clear_ibuf [dreg:s7], $0x2FFFF;
	_ =	strace $0x9FFFFFFF  }
0x3a: {  	(tm) =	ssettm $0x7FFFFFFF  }
0x3b: {  	_ =	shalt  }
tec
execute0_lowered:
.L_overlay_start_1:
0x0: {  	(tag) =	ssettag $0x1  }
0x1: {  	s2 =	rddreg [dreg:$0x0]  }
0x2: {  	s1 =	rddreg [dreg:$0x1]  }
0x3: {  	s0 =	rddreg [dreg:$0x2];
	s4 =	srdreg.scid  }
0x4: {  	_ =	strace $0x80000047;
	s7 =	simm.s32 $0x2;
	s12 =	simm.s32 $0x0  }
0x5: {  	p0 =	por $0x0, $0x0;
	s8 =	simm.s32 $0x80;
	s13 =	simm.s32 $0x0  }
.Ltmp0:
0x6: {  	s3 =	sadd.s32 $0x4200, s1;
	s4 =	sshll.u32 s4, $0x4;
	(pc) =	sbr.rel .LBB1_1-.Ltmp0, $4  }
0x7: {  	s1 =	stileid.u32;
	s5 =	sand.u32 $0x10, s4;
	s4 =	simm.s32 $0x1  }
0x8: {  	s9 =	simm.s32 $0x0;
	s6 =	sor.u32 s1, s5;
	[sflag:s4] =	ssyncpa.u1 $0x0  }
0x9: {  	s5 =	sand.u32 $0x3, s1;
	s6 =	sshrl.u32 s6, $0x2;
	[sflag:s7] =	ssyncpa.u1 $0x0  }
0xa: {  	s7 =	simm.s32 $0x40;
	s11 =	smov.u32 s5;
	s10 =	smov.u32 s6  }
.LBB1_5:
0xb: {  	s14 =	sadd.s32 $0x8, s10  }
0xc: {  	s12 =	sadd.s32 $0x4, s11;
	s16 =	smov.u32 s11;
	p2 =	sgt.s32 s14, $0xFF  }
0xd: {  	p1 =	slt.u32 s9, $0x2;
	s16 =	smov.u32 @p2 s12  }
0xe: {  	s9 =	sadd.s32 $0x1, s9;
	s14 =	smov.u32 @p2 s6;
	p2 =	sgt.s32 s16, $0x3  }
0xf: {  	s16 =	smov.u32 @p2 s5;
	p2 =	sne.s32 s9, $0x22  }
.Ltmp1:
0x10: {  	_ = 	snop;
	(pc) =	sbr.rel @!p2 .LBB1_6-.Ltmp1, $4  }
0x11: {  	s15 =	simm.s32 @!p1 $0x2  }
0x12: {  	s13 =	smov.u32 s11;
	_ =	swait.ge @!p1 [sflag:s15], $0x4000  }
0x13: {  	p0 =	por !p0, !p0;
	s12 =	smov.u32 s10;
	[sflag:s15] =	ssyncset.done @!p1 $0x0  }
0x14: {  	s10 =	smov.u32 s14;
	[sflag:s15] =	ssyncadd.s32 @!p1 $0xFFFFC000;
	s11 =	smov.u32 s16  }
.LBB1_1:
0x15: {  	p1 =	sgt.u32 s9, $0x1F  }
0x16: {  	s14 =	sxor.u32 @!p1 $0xFFFFFFFF, s9;
	s15 =	sshll.u32 @!p1 s11, $0x13  }
0x17: {  	s16 =	sshll.u32 @!p1 s10, $0xB;
	s14 =	sshll.u32 @!p1 s14, $0xE;
	s15 =	sadd.s32 @!p1 s2, s15  }
0x18: {  	s14 =	sand.u32 @!p1 $0x4000, s14;
	s15 =	sadd.s32 @!p1 s16, s15;
	s16 =	simm.s32 @!p1 $0x0  }
0x19: {  	[tilespmem:s14], [sflag:$0x1] =	stream.linear.gather @!p1 [hbm4b:s15+s16], $0x4000, $0x38;
	[tilespmem:$0x10200] =	vst v63  }
0x1a: {  	p1 =	seq.s32 s9, $0x0  }
0x1b: {  	p2 =	seq.s32 @!p1 s9, $0x21  }
0x1c: {  	p1 =	por p1, p2  }
.Ltmp2:
0x1d: {  	_ = 	snop;
	(pc) =	sbr.rel @p1 .LBB1_5-.Ltmp2, $1  }
0x1e: {  	_ =	sdelay $0x3  }
0x1f: {  	s17 =	simm.s32 $0x0  }
0x20: {  	s16 =	sand.u32 $0x3800, s17;
	s18 =	sand.u32 $0x380, s17  }
0x21: {  	s14 =	sand.u32 $0x1, s9;
	s16 =	sor.u32 s18, s16  }
0x22: {  	_ =	swait.ge [sflag:s4], $0x4000;
	s15 =	sshll.u32 s14, $0xE;
	s18 =	sand.u32 $0x3B00, s16  }
0x23: {  	[sflag:s4] =	ssyncset.done $0x0;
	s17 =	sand.u32 $0x80, s17;
	s18 =	sadd.s32 s18, s15  }
0x24: {  	[sflag:s4] =	ssyncadd.s32 $0xFFFFC000;
	s20 =	sadd.s32 s17, s18  }
0x25: {  	v4 =	vld [tilespmem:s20+$0x400]  }
0x26: {  	s19 =	simm.s32 $0x1;
	v5 =	vld [tilespmem:s20+$0x0]  }
0x27: {  	s19 =	simm.s32 @!p0 $0x0;
	v6 =	vld [tilespmem:s20+$0x10]  }
0x28: {  	v0 =	vmov s15;
	s31 =	smul.u32 $0x10400, s19;
	v7 =	vld [tilespmem:s20+$0x20]  }
0x29: {  	v9 =	vld [tilespmem:s20+$0x30]  }
0x2a: {  	s17 =	sshrl.u32 s31, $0x2;
	v10 =	vld [tilespmem:s20+$0x40]  }
0x2b: {  	s17 =	sor.u32 $0x8000, s17;
	v11 =	vld [tilespmem:s20+$0x50]  }
0x2c: {  	v8 =	vld [tilespmem:s20+$0x60];
	s18 =	sadd.s32 $0x0, s17  }
0x2d: {  	v1 =	vld.idx.msk [tilespmem:v0+s16+$0x410 ss:$0x1], $0xffff;
	[tilespmem:s18+$0x2080 ss:$0x41] =	vst.msk $0xffff, v4  }
0x2e: {  	v2 =	vld.idx.msk [tilespmem:v0+s16+$0x420 ss:$0x1], $0xffff;
	[tilespmem:s18+$0x0 ss:$0x41] =	vst.msk $0xffff, v5  }
0x2f: {  	v3 =	vld.idx.msk [tilespmem:v0+s16+$0x430 ss:$0x1], $0xffff;
	[tilespmem:s18+$0x410 ss:$0x41] =	vst.msk $0xffff, v6  }
0x30: {  	s14 =	smul.u32 $0x10400, s14;
	[tilespmem:s18+$0x820 ss:$0x41] =	vst.msk $0xffff, v7;
	v7 =	vld [tilespmem:s20+$0x70]  }
0x31: {  	s21 =	simm.s32 $0x100;
	s22 =	simm.s32 $0x8;
	[tilespmem:s18+$0xC30 ss:$0x41] =	vst.msk $0xffff, v9;
	v4 =	vld.idx.msk [tilespmem:v0+s16+$0x440 ss:$0x1], $0xffff  }
0x32: {  	s23 =	sand.u32 $0x3800, s21;
	s14 =	sshrl.u32 s14, $0x2;
	[tilespmem:s18+$0x1040 ss:$0x41] =	vst.msk $0xffff, v10;
	v5 =	vld.idx.msk [tilespmem:v0+s16+$0x450 ss:$0x1], $0xffff;
	s20 =	simm.s32 $0x80  }
0x33: {  	s19 =	simm.s32 $0x4;
	s14 =	sor.u32 $0x8000, s14;
	[tilespmem:s18+$0x1450 ss:$0x41] =	vst.msk $0xffff, v11;
	v6 =	vld.idx.msk [tilespmem:v0+s16+$0x460 ss:$0x1], $0xffff;
	s24 =	sand.u32 $0x380, s20  }
.LBB1_3:
0x34: {  	p1 =	sne.s32 s22, $0xFC;
	[tilespmem:s18+$0x1860 ss:$0x41] =	vst.msk $0xffff, v8;
	v8 =	vld.idx.msk [tilespmem:v0+s16+$0x470 ss:$0x1], $0xffff;
	s16 =	sor.u32 s24, s23  }
0x35: {  	s23 =	sand.u32 $0x3B00, s16;
	v9 =	vld.idx.msk [tilespmem:v0+s16+$0x410 ss:$0x1], $0xffff;
	[tilespmem:s18+$0x1C70 ss:$0x41] =	vst.msk $0xffff, v7  }
0x36: {  	s24 =	sand.u32 $0x80, s20;
	s23 =	sadd.s32 s23, s15;
	v7 =	vld.idx.msk [tilespmem:v0+s16+$0x420 ss:$0x1], $0xffff;
	[tilespmem:s18+$0x2490 ss:$0x41] =	vst.msk $0xffff, v1  }
0x37: {  	s23 =	sadd.s32 s24, s23;
	v10 =	vld.idx.msk [tilespmem:v0+s16+$0x430 ss:$0x1], $0xffff;
	[tilespmem:s18+$0x28A0 ss:$0x41] =	vst.msk $0xffff, v2  }
0x38: {  	v11 =	vld [tilespmem:s23+$0x400];
	[tilespmem:s18+$0x2CB0 ss:$0x41] =	vst.msk $0xffff, v3  }
0x39: {  	v12 =	vld [tilespmem:s23+$0x0];
	[tilespmem:s18+$0x30C0 ss:$0x41] =	vst.msk $0xffff, v4  }
0x3a: {  	v4 =	vld [tilespmem:s23+$0x10];
	[tilespmem:s18+$0x34D0 ss:$0x41] =	vst.msk $0xffff, v5  }
0x3b: {  	s24 =	sshra.s32 s19, $0x2;
	s19 =	smov.u32 s22;
	v1 =	vmov v9;
	v5 =	vld [tilespmem:s23+$0x20];
	[tilespmem:s18+$0x38E0 ss:$0x41] =	vst.msk $0xffff, v6  }
0x3c: {  	v2 =	vmov v7;
	v6 =	vld [tilespmem:s23+$0x30];
	[tilespmem:s18+$0x3CF0 ss:$0x41] =	vst.msk $0xffff, v8;
	s18 =	sadd.s32 s24, s17  }
0x3d: {  	v3 =	vmov v10;
	v9 =	vld [tilespmem:s23+$0x40];
	[tilespmem:s18+$0x2080 ss:$0x41] =	vst.msk $0xffff, v11  }
0x3e: {  	[tilespmem:s18+$0x0 ss:$0x41] =	vst.msk $0xffff, v12;
	v10 =	vld [tilespmem:s23+$0x50]  }
.Ltmp3:
0x3f: {  	[tilespmem:s18+$0x410 ss:$0x41] =	vst.msk $0xffff, v4;
	v8 =	vld [tilespmem:s23+$0x60];
	(pc) =	sbr.rel @p1 .LBB1_3-.Ltmp3, $4  }
0x40: {  	[tilespmem:s18+$0x820 ss:$0x41] =	vst.msk $0xffff, v5;
	v7 =	vld [tilespmem:s23+$0x70]  }
0x41: {  	[tilespmem:s18+$0xC30 ss:$0x41] =	vst.msk $0xffff, v6;
	v4 =	vld.idx.msk [tilespmem:v0+s16+$0x440 ss:$0x1], $0xffff  }
0x42: {  	s20 =	sadd.s32 $0x80, s20;
	s21 =	sadd.s32 $0x100, s21;
	[tilespmem:s18+$0x1040 ss:$0x41] =	vst.msk $0xffff, v9;
	v5 =	vld.idx.msk [tilespmem:v0+s16+$0x450 ss:$0x1], $0xffff  }
0x43: {  	s22 =	sadd.s32 $0x4, s22;
	s24 =	sand.u32 $0x380, s20;
	s23 =	sand.u32 $0x3800, s21;
	[tilespmem:s18+$0x1450 ss:$0x41] =	vst.msk $0xffff, v10;
	v6 =	vld.idx.msk [tilespmem:v0+s16+$0x460 ss:$0x1], $0xffff  }
0x44: {  	_ = 	snop  }
0x45: {  	[tilespmem:s18+$0x1860 ss:$0x41] =	vst.msk $0xffff, v8  }
0x46: {  	[tilespmem:s18+$0x2490 ss:$0x41] =	vst.msk $0xffff, v1  }
0x47: {  	[tilespmem:s18+$0x28A0 ss:$0x41] =	vst.msk $0xffff, v2  }
0x48: {  	s21 =	sor.u32 s24, s23;
	v47 =	vld.idx.msk [tilespmem:v0+s16+$0x470 ss:$0x1], $0xffff;
	[tilespmem:s18+$0x2CB0 ss:$0x41] =	vst.msk $0xffff, v3  }
0x49: {  	[tilespmem:s18+$0x1C70 ss:$0x41] =	vst.msk $0xffff, v7;
	v57 =	vld.idx.msk [tilespmem:v0+s21+$0x410 ss:$0x1], $0xffff  }
0x4a: {  	v58 =	vld.idx.msk [tilespmem:v0+s21+$0x420 ss:$0x1], $0xffff;
	[tilespmem:s18+$0x30C0 ss:$0x41] =	vst.msk $0xffff, v4  }
0x4b: {  	v59 =	vld.idx.msk [tilespmem:v0+s21+$0x430 ss:$0x1], $0xffff;
	[tilespmem:s18+$0x34D0 ss:$0x41] =	vst.msk $0xffff, v5  }
0x4c: {  	s31 =	sshra.s32 s19, $0x2;
	v60 =	vld.idx.msk [tilespmem:v0+s21+$0x440 ss:$0x1], $0xffff;
	[tilespmem:s18+$0x38E0 ss:$0x41] =	vst.msk $0xffff, v6  }
0x4d: {  	s22 =	sand.u32 $0x3B00, s21;
	s16 =	sadd.s32 s31, s17;
	v61 =	vld.idx.msk [tilespmem:v0+s21+$0x450 ss:$0x1], $0xffff;
	[tilespmem:s18+$0x3CF0 ss:$0x41] =	vst.msk $0xffff, v47  }
0x4e: {  	s20 =	sand.u32 $0x80, s20;
	v62 =	vld.idx.msk [tilespmem:v0+s21+$0x460 ss:$0x1], $0xffff;
	s15 =	sadd.s32 s22, s15;
	[tilespmem:s16+$0x2490 ss:$0x41] =	vst.msk $0xffff, v57  }
0x4f: {  	v63 =	vld.idx.msk [tilespmem:v0+s21+$0x470 ss:$0x1], $0xffff;
	s15 =	sadd.s32 s20, s15;
	[tilespmem:s16+$0x28A0 ss:$0x41] =	vst.msk $0xffff, v58  }
0x50: {  	v48 =	vld [tilespmem:s15+$0x400];
	[tilespmem:s16+$0x2CB0 ss:$0x41] =	vst.msk $0xffff, v59  }
0x51: {  	v49 =	vld [tilespmem:s15+$0x0];
	[tilespmem:s16+$0x30C0 ss:$0x41] =	vst.msk $0xffff, v60  }
0x52: {  	v50 =	vld [tilespmem:s15+$0x10];
	[tilespmem:s16+$0x34D0 ss:$0x41] =	vst.msk $0xffff, v61  }
0x53: {  	v51 =	vld [tilespmem:s15+$0x20];
	[tilespmem:s16+$0x38E0 ss:$0x41] =	vst.msk $0xffff, v62  }
0x54: {  	v52 =	vld [tilespmem:s15+$0x30];
	[tilespmem:s16+$0x3CF0 ss:$0x41] =	vst.msk $0xffff, v63  }
0x55: {  	v53 =	vld [tilespmem:s15+$0x40];
	[tilespmem:s16+$0x2080 ss:$0x41] =	vst.msk $0xffff, v48  }
0x56: {  	v54 =	vld [tilespmem:s15+$0x50];
	[tilespmem:s16+$0x0 ss:$0x41] =	vst.msk $0xffff, v49  }
0x57: {  	v55 =	vld [tilespmem:s15+$0x60];
	[tilespmem:s16+$0x410 ss:$0x41] =	vst.msk $0xffff, v50  }
0x58: {  	v56 =	vld [tilespmem:s15+$0x70];
	[tilespmem:s16+$0x820 ss:$0x41] =	vst.msk $0xffff, v51  }
0x59: {  	[tilespmem:s16+$0xC30 ss:$0x41] =	vst.msk $0xffff, v52  }
.Ltmp4:
0x5a: {  	[tilespmem:s16+$0x1040 ss:$0x41] =	vst.msk $0xffff, v53;
	(pc) =	sbr.rel .LBB1_5-.Ltmp4, $4  }
0x5b: {  	s13 =	sshll.u32 s13, $0x14;
	[tilespmem:s16+$0x1450 ss:$0x41] =	vst.msk $0xffff, v54  }
0x5c: {  	s12 =	sshll.u32 s12, $0xC;
	s13 =	sadd.s32 s3, s13;
	[tilespmem:s16+$0x1860 ss:$0x41] =	vst.msk $0xffff, v55  }
0x5d: {  	s12 =	sadd.s32 s12, s13;
	[tilespmem:s16+$0x1C70 ss:$0x41] =	vst.msk $0xffff, v56  }
0x5e: {  	[hbm4b:s12+s7] =	stream.strided.scatter [tilespmem:s14], [sflag:$0x2], $0x4000, s8, s7, $0x18;
	[tilespmem:$0x10200] =	vst v63  }
.LBB1_6:
0x5f: {  	_ =	sfence.sel $0x180000  }
0x60: {  	s2 =	simm.s32 $0x1;
	[bflag:$0x0] =	sbarrier.arrive $0xFFFF  }
0x61: {  	s31 =	simm.s32 $0x2;
	[sflag:s2] =	ssyncpa.u1 $0x1  }
0x62: {  	[sflag:s31] =	ssyncpa.u1 $0x1  }
0x63: {  	p0 =	sne.s32 s1, $0x0;
	_ =	strace $0x90000047  }
0x64: {  	s0 =	sadd.s32 @!p0 $0x100000, s0;
	[bflag:$0x2] =	sbarrier.arrive $0xFFFF  }
0x65: {  	[sflag:s0] =	ssyncadd.tile.s32 @!p0 $0x1;
	_ =	shalt  }
.Lfunc_end1:
_tile_overlayer_lowered:
.L_overlay_start_2:
0x66: {  	(tag) =	ssettag $0x2  }
0x67: {  	s0 =	rddreg [dreg:$0x0];
	s2 =	stileid.u32  }
0x68: {  	s1 =	rddreg [dreg:$0x1];
	p0 =	sne.s32 s2, $0x0  }
0x69: {  	s3 =	rddreg [dreg:$0x2];
	[bflag:$0x3] =	sbarrier.arrive $0xFFFF;
	s2 =	simm.s32 @!p0 $0x1C01  }
0x6a: {  	[timem:s3], [sflag:s2] =	dma.local @!p0 [hbm:s0], s1  }
0x6b: {  	s0 =	simm.s32 @!p0 $0x1  }
0x6c: {  	_ =	swait.ge @!p0 [sflag:s0], s1  }
0x6d: {  	s1 =	ssub.s32 @!p0 $0x0, s1;
	[sflag:s0] =	ssyncset.done @!p0 $0x0  }
0x6e: {  	[sflag:s0] =	ssyncadd.s32 @!p0 s1  }
0x6f: {  	[bflag:$0x3] =	sbarrier.arrive $0xFFFF  }
0x70: {  	_ =	shalt  }

</sc_bundles>
